<compile_context>
chip_gen: v7x
topology: tpu7x:2x2x1
jax: 0.10.2.dev20260603
libtpu: 0.0.44.dev20260713+nightly
codegen_flags: <defaults>
</compile_context>

<pallas_src>
import functools

import jax
import jax.numpy as jnp
from jax import lax
from jax.experimental import pallas as pl
from jax.experimental.pallas import tpu as pltpu
from jax.experimental.pallas import tpu_sc as plsc

D = 64
NC, NS = 2, 16
NW = NC * NS
C = 1024
G = 128


def _comb_body(minute_ref, hour_ref, weekday_ref, duration_ref, out_ref):
    hm = (jnp.broadcast_to(hour_ref[:][:, None, :], (24, 4, D))
          + jnp.broadcast_to(minute_ref[:][None, :, :], (24, 4, D))).reshape(96, D)
    row = lax.broadcasted_iota(jnp.int32, (7, D), 0) == pl.program_id(0)
    w = jnp.sum(jnp.where(row, weekday_ref[:], 0.0), axis=0)
    out_ref[0] = (hm[:, None, :] + duration_ref[:][None, :, :]
                  + w[None, None, :])


def _build_comb(minute_W, hour_W, weekday_W, duration_W):
    out = pl.pallas_call(
        _comb_body,
        grid=(7,),
        in_specs=[
            pl.BlockSpec((4, D), lambda w: (0, 0)),
            pl.BlockSpec((24, D), lambda w: (0, 0)),
            pl.BlockSpec((7, D), lambda w: (0, 0)),
            pl.BlockSpec((96, D), lambda w: (0, 0)),
        ],
        out_specs=pl.BlockSpec((1, 96, 96, D), lambda w: (w, 0, 0, 0)),
        out_shape=jax.ShapeDtypeStruct((7, 96, 96, D), jnp.float32),
    )(minute_W, hour_W, weekday_W, duration_W)
    return out.reshape(7 * 96 * 96, D)


def _cidx_body(t_ref, w_ref, d_ref, out_ref):
    out_ref[...] = (w_ref[...] * 96 + t_ref[...]) * 96 + d_ref[...]


def _build_cidx(time, weekday, duration):
    B, L = time.shape
    blk = 512
    return pl.pallas_call(
        _cidx_body,
        grid=(B // blk,),
        in_specs=[pl.BlockSpec((blk, L), lambda i: (i, 0))] * 3,
        out_specs=pl.BlockSpec((blk, L), lambda i: (i, 0)),
        out_shape=jax.ShapeDtypeStruct((B, L), jnp.int32),
    )(time, weekday, duration)


def _tr_table_body(in_ref, out_ref):
    out_ref[...] = in_ref[...].T


def _relayout_table(locT):
    V = locT.shape[1]
    blk = 4096
    return pl.pallas_call(
        _tr_table_body,
        grid=(pl.cdiv(V, blk),),
        in_specs=[pl.BlockSpec((D, blk), lambda i: (0, i))],
        out_specs=pl.BlockSpec((blk, D), lambda i: (i, 0)),
        out_shape=jax.ShapeDtypeStruct((V, D), jnp.float32),
    )(locT)


def _tr_out_body(in_ref, out_ref):
    for l in range(8):
        out_ref[l] = in_ref[:, l, :].T


def _transpose_out(y, B, L):
    y3 = y.reshape(B, L, D)
    return pl.pallas_call(
        _tr_out_body,
        grid=(L // 8,),
        in_specs=[pl.BlockSpec((B, 8, D), lambda l: (0, l, 0))],
        out_specs=pl.BlockSpec((8, D, B), lambda l: (l, 0, 0)),
        out_shape=jax.ShapeDtypeStruct((L, D, B), jnp.float32),
    )(y3)


def _make_sc_lookup(n_tokens):
    rpw = n_tokens // NW
    nchunk = rpw // C
    mesh = plsc.VectorSubcoreMesh(core_axis_name="c", subcore_axis_name="s")

    @functools.partial(
        pl.kernel,
        mesh=mesh,
        out_type=jax.ShapeDtypeStruct((n_tokens, D), jnp.float32),
        scratch_types=[
            pltpu.VMEM((C,), jnp.int32),
            pltpu.VMEM((C,), jnp.int32),
            pltpu.VMEM((C, D), jnp.float32),
            pltpu.SemaphoreType.DMA,
        ],
        compiler_params=pltpu.CompilerParams(use_tc_tiling_on_sc=False,
                                             needs_layout_passes=False),
    )
    def sc_lookup(src_h, cidx_h, comb_h, loc_h, out_h, sbuf, cbuf, rows, sem):
        cid = lax.axis_index("c")
        sid = lax.axis_index("s")
        wid = sid * NC + cid

        @pl.loop(0, nchunk)
        def _chunk(k):
            base = wid * rpw + k * C
            pltpu.sync_copy(src_h.at[pl.ds(base, C)], sbuf)
            pltpu.sync_copy(cidx_h.at[pl.ds(base, C)], cbuf)

            descs = []
            for j in range(C // G):
                descs.append(pltpu.async_copy(
                    loc_h.at[sbuf.at[pl.ds(j * G, G)]],
                    rows.at[pl.ds(j * G, G)], sem))
            for d_ in descs:
                d_.wait()
            descs = []
            for j in range(C // G):
                descs.append(pltpu.async_copy(
                    comb_h.at[cbuf.at[pl.ds(j * G, G)]],
                    rows.at[pl.ds(j * G, G)], sem, add=True))
            for d_ in descs:
                d_.wait()
            pltpu.sync_copy(rows, out_h.at[pl.ds(base, C)])

    return sc_lookup


def kernel(src, time, weekday, duration, emb_loc_W, minute_W, hour_W,
           weekday_W, duration_W):
    B, L = src.shape
    n = B * L
    comb = _build_comb(minute_W, hour_W, weekday_W, duration_W)
    cidx = _build_cidx(time.astype(jnp.int32), weekday.astype(jnp.int32),
                       duration.astype(jnp.int32))
    y = _make_sc_lookup(n)(
        src.reshape(n).astype(jnp.int32),
        cidx.reshape(n),
        comb,
        emb_loc_W,
    )
    return y.reshape(B, L, D)

# --- scband reference (transcript-rebuilt; emitter-appended) ---
"""Pipeline reference for scband-all-embedding-lstm-47888885350758 (READ-ONLY COPY).

The authoritative reference and input builder live on the scoring server;
editing this copy changes nothing except your own understanding.
"""

import jax, jax.numpy as jnp
import numpy as np


def setup_inputs(seed: int = 0) -> dict:
    key = jax.random.key(seed)
    ks = jax.random.split(key, 9)
    B, L, D, V = 4096, 200, 64, 1000000
    src = jax.random.randint(ks[0], (B, L), 0, V)
    time = jax.random.randint(ks[1], (B, L), 0, 96)
    weekday = jax.random.randint(ks[2], (B, L), 0, 7)
    duration = jax.random.randint(ks[3], (B, L), 0, 96)
    emb_loc_W = jax.random.normal(ks[4], (V, D), dtype=jnp.float32) * 0.02
    minute_W = jax.random.normal(ks[5], (4, D), dtype=jnp.float32) * 0.02
    hour_W = jax.random.normal(ks[6], (24, D), dtype=jnp.float32) * 0.02
    weekday_W = jax.random.normal(ks[7], (7, D), dtype=jnp.float32) * 0.02
    duration_W = jax.random.normal(ks[8], (96, D), dtype=jnp.float32) * 0.02
    return {
        'src': src,
        'time': time,
        'weekday': weekday,
        'duration': duration,
        'emb_loc_W': emb_loc_W,
        'minute_W': minute_W,
        'hour_W': hour_W,
        'weekday_W': weekday_W,
        'duration_W': duration_W,
    }


def reference(src, time, weekday, duration, emb_loc_W, minute_W, hour_W, weekday_W, duration_W):
    # emb = self.emb_loc(src)
    emb = jnp.take(emb_loc_W, src, axis=0)
    # TemporalEmbedding with emb_info='all':
    # hour = time // minute_size (4); minutes = time % 4
    hour = time // 4
    minutes = time % 4
    temporal = (
        jnp.take(hour_W, hour, axis=0)
        + jnp.take(minute_W, minutes, axis=0)
        + jnp.take(weekday_W, weekday, axis=0)
    )
    emb = emb + temporal
    # duration embedding (table size 60*24*2//30 = 96)
    emb = emb + jnp.take(duration_W, duration, axis=0)
    # dropout is identity in eval mode
    return emb

if __name__ == "__main__":
    import jax
    _d = setup_inputs()
    print(jax.jit(kernel)(*tuple(_d.values())))

</pallas_src>

<mosaic_0001>
#map = affine_map<(d0, d1) -> (0)>
#map1 = affine_map<(d0, d1) -> (0, 0)>
module attributes {stable_mosaic.version = 14 : i64} {
  func.func @sc_lookup(%arg0: i32, %arg1: i32, %arg2: memref<819200xi32, #tpu.memory_space<hbm>>, %arg3: memref<819200xi32, #tpu.memory_space<hbm>>, %arg4: memref<64512x64xf32, #tpu.memory_space<hbm>>, %arg5: memref<1000000x64xf32, #tpu.memory_space<hbm>>, %arg6: memref<819200x64xf32, #tpu.memory_space<hbm>>, %arg7: memref<1024xi32, #tpu.memory_space<vmem>>, %arg8: memref<1024xi32, #tpu.memory_space<vmem>>, %arg9: memref<1024x64xf32, #tpu.memory_space<vmem>>, %arg10: memref<!tpu.dma_semaphore, #tpu.memory_space<semaphore_mem>>) attributes {dimension_semantics = [#tpu.dimension_semantics<core_parallel>, #tpu.dimension_semantics<subcore_parallel>], iteration_bounds = array<i64: 2, 16>, scalar_prefetch = 0 : i64, scratch_operands = 4 : i64, tpu.core_type = #tpu.core_type<sc_vector_subcore>, window_params = [{transform_indices = #map}, {transform_indices = #map}, {transform_indices = #map1}, {transform_indices = #map1}, {transform_indices = #map1}]} {
    %mul3A = arith.constant 2 : i32
    %mul3A_0 = arith.muli %arg1, %mul3A : i32
    %add3A = arith.addi %mul3A_0, %arg0 : i32
    %scan3A = arith.constant 0 : i32
    %scan3A_1 = arith.constant 25 : i32
    %scan3A_2 = arith.addi %scan3A, %scan3A_1 : i32
    %scan3A_3 = arith.constant 1 : i32
    scf.for %scan3A_5 = %scan3A to %scan3A_2 step %scan3A_3  : i32 {
      %mul3A_6 = arith.constant 1 : i32
      %mul3A_7 = arith.muli %scan3A_5, %mul3A_6 : i32
      %add3A_8 = arith.constant 0 : i32
      %add3A_9 = arith.addi %add3A_8, %mul3A_7 : i32
      %mul3A_10 = arith.constant 25600 : i32
      %mul3A_11 = arith.muli %add3A, %mul3A_10 : i32
      %mul3A_12 = arith.constant 1024 : i32
      %mul3A_13 = arith.muli %add3A_9, %mul3A_12 : i32
      %add3A_14 = arith.addi %mul3A_11, %mul3A_13 : i32
      "tpu.region"() ({
        %run_scoped3A = tpu.sem_alloc : memref<!tpu.dma_semaphore, #tpu.memory_space<semaphore_mem>>
        %dma_start3A_269 = tpu.memref_slice %arg2[%add3A_14] : memref<819200xi32, #tpu.memory_space<hbm>> -> memref<1024xi32, #tpu.memory_space<hbm>>
        %dma_start3A_270 = tpu.memref_slice %arg2[%add3A_14] : memref<819200xi32, #tpu.memory_space<hbm>> -> memref<1024xi32, #tpu.memory_space<hbm>>
        tpu.enqueue_dma source(%dma_start3A_270 : memref<1024xi32, #tpu.memory_space<hbm>>) target(%arg7 : memref<1024xi32, #tpu.memory_space<vmem>>) target_semaphore(%run_scoped3A : memref<!tpu.dma_semaphore, #tpu.memory_space<semaphore_mem>>)
        %dma_wait3A_271 = tpu.memref_slice %arg2[%add3A_14] : memref<819200xi32, #tpu.memory_space<hbm>> -> memref<1024xi32, #tpu.memory_space<hbm>>
        %dma_wait3A_272 = tpu.memref_slice %arg2[%add3A_14] : memref<819200xi32, #tpu.memory_space<hbm>> -> memref<1024xi32, #tpu.memory_space<hbm>>
        tpu.wait_dma2 semaphore(%run_scoped3A : memref<!tpu.dma_semaphore, #tpu.memory_space<semaphore_mem>>) src(%dma_wait3A_272 : memref<1024xi32, #tpu.memory_space<hbm>>) dst(%arg7 : memref<1024xi32, #tpu.memory_space<vmem>>)
        tpu.yield
      }) : () -> ()
      "tpu.region"() ({
        %run_scoped3A = tpu.sem_alloc : memref<!tpu.dma_semaphore, #tpu.memory_space<semaphore_mem>>
        %dma_start3A_269 = tpu.memref_slice %arg3[%add3A_14] : memref<819200xi32, #tpu.memory_space<hbm>> -> memref<1024xi32, #tpu.memory_space<hbm>>
        %dma_start3A_270 = tpu.memref_slice %arg3[%add3A_14] : memref<819200xi32, #tpu.memory_space<hbm>> -> memref<1024xi32, #tpu.memory_space<hbm>>
        tpu.enqueue_dma source(%dma_start3A_270 : memref<1024xi32, #tpu.memory_space<hbm>>) target(%arg8 : memref<1024xi32, #tpu.memory_space<vmem>>) target_semaphore(%run_scoped3A : memref<!tpu.dma_semaphore, #tpu.memory_space<semaphore_mem>>)
        %dma_wait3A_271 = tpu.memref_slice %arg3[%add3A_14] : memref<819200xi32, #tpu.memory_space<hbm>> -> memref<1024xi32, #tpu.memory_space<hbm>>
        %dma_wait3A_272 = tpu.memref_slice %arg3[%add3A_14] : memref<819200xi32, #tpu.memory_space<hbm>> -> memref<1024xi32, #tpu.memory_space<hbm>>
        tpu.wait_dma2 semaphore(%run_scoped3A : memref<!tpu.dma_semaphore, #tpu.memory_space<semaphore_mem>>) src(%dma_wait3A_272 : memref<1024xi32, #tpu.memory_space<hbm>>) dst(%arg8 : memref<1024xi32, #tpu.memory_space<vmem>>)
        tpu.yield
      }) : () -> ()
      %dma_start3A = arith.constant 0 : i32
      %dma_start3A_15 = arith.constant 0 : i32
      %dma_start3A_16 = tpu.memref_slice %arg9[%dma_start3A, %dma_start3A_15] : memref<1024x64xf32, #tpu.memory_space<vmem>> -> memref<128x64xf32, #tpu.memory_space<vmem>>
      %dma_start3A_17 = arith.constant 0 : i32
      %dma_start3A_18 = tpu.memref_slice %arg7[%dma_start3A_17] : memref<1024xi32, #tpu.memory_space<vmem>> -> memref<128xi32, #tpu.memory_space<vmem>>
      %dma_start3A_19 = arith.constant 0 : i32
      %dma_start3A_20 = arith.constant 0 : i32
      %dma_start3A_21 = tpu.memref_slice %arg5[%dma_start3A_19, %dma_start3A_20] : memref<1000000x64xf32, #tpu.memory_space<hbm>> -> memref<1000000x64xf32, #tpu.memory_space<hbm>>
      tpu.enqueue_indirect_dma source(%dma_start3A_21 : memref<1000000x64xf32, #tpu.memory_space<hbm>>) target(%dma_start3A_16 : memref<128x64xf32, #tpu.memory_space<vmem>>) offsets(%dma_start3A_18 : memref<128xi32, #tpu.memory_space<vmem>>) semaphore(%arg10 : memref<!tpu.dma_semaphore, #tpu.memory_space<semaphore_mem>>)
      %dma_start3A_22 = arith.constant 128 : i32
      %dma_start3A_23 = arith.constant 0 : i32
      %dma_start3A_24 = tpu.memref_slice %arg9[%dma_start3A_22, %dma_start3A_23] : memref<1024x64xf32, #tpu.memory_space<vmem>> -> memref<128x64xf32, #tpu.memory_space<vmem>>
      %dma_start3A_25 = arith.constant 128 : i32
      %dma_start3A_26 = tpu.memref_slice %arg7[%dma_start3A_25] : memref<1024xi32, #tpu.memory_space<vmem>> -> memref<128xi32, #tpu.memory_space<vmem>>
      %dma_start3A_27 = arith.constant 0 : i32
      %dma_start3A_28 = arith.constant 0 : i32
      %dma_start3A_29 = tpu.memref_slice %arg5[%dma_start3A_27, %dma_start3A_28] : memref<1000000x64xf32, #tpu.memory_space<hbm>> -> memref<1000000x64xf32, #tpu.memory_space<hbm>>
      tpu.enqueue_indirect_dma source(%dma_start3A_29 : memref<1000000x64xf32, #tpu.memory_space<hbm>>) target(%dma_start3A_24 : memref<128x64xf32, #tpu.memory_space<vmem>>) offsets(%dma_start3A_26 : memref<128xi32, #tpu.memory_space<vmem>>) semaphore(%arg10 : memref<!tpu.dma_semaphore, #tpu.memory_space<semaphore_mem>>)
      %dma_start3A_30 = arith.constant 256 : i32
      %dma_start3A_31 = arith.constant 0 : i32
      %dma_start3A_32 = tpu.memref_slice %arg9[%dma_start3A_30, %dma_start3A_31] : memref<1024x64xf32, #tpu.memory_space<vmem>> -> memref<128x64xf32, #tpu.memory_space<vmem>>
      %dma_start3A_33 = arith.constant 256 : i32
      %dma_start3A_34 = tpu.memref_slice %arg7[%dma_start3A_33] : memref<1024xi32, #tpu.memory_space<vmem>> -> memref<128xi32, #tpu.memory_space<vmem>>
      %dma_start3A_35 = arith.constant 0 : i32
      %dma_start3A_36 = arith.constant 0 : i32
      %dma_start3A_37 = tpu.memref_slice %arg5[%dma_start3A_35, %dma_start3A_36] : memref<1000000x64xf32, #tpu.memory_space<hbm>> -> memref<1000000x64xf32, #tpu.memory_space<hbm>>
      tpu.enqueue_indirect_dma source(%dma_start3A_37 : memref<1000000x64xf32, #tpu.memory_space<hbm>>) target(%dma_start3A_32 : memref<128x64xf32, #tpu.memory_space<vmem>>) offsets(%dma_start3A_34 : memref<128xi32, #tpu.memory_space<vmem>>) semaphore(%arg10 : memref<!tpu.dma_semaphore, #tpu.memory_space<semaphore_mem>>)
      %dma_start3A_38 = arith.constant 384 : i32
      %dma_start3A_39 = arith.constant 0 : i32
      %dma_start3A_40 = tpu.memref_slice %arg9[%dma_start3A_38, %dma_start3A_39] : memref<1024x64xf32, #tpu.memory_space<vmem>> -> memref<128x64xf32, #tpu.memory_space<vmem>>
      %dma_start3A_41 = arith.constant 384 : i32
      %dma_start3A_42 = tpu.memref_slice %arg7[%dma_start3A_41] : memref<1024xi32, #tpu.memory_space<vmem>> -> memref<128xi32, #tpu.memory_space<vmem>>
      %dma_start3A_43 = arith.constant 0 : i32
      %dma_start3A_44 = arith.constant 0 : i32
      %dma_start3A_45 = tpu.memref_slice %arg5[%dma_start3A_43, %dma_start3A_44] : memref<1000000x64xf32, #tpu.memory_space<hbm>> -> memref<1000000x64xf32, #tpu.memory_space<hbm>>
      tpu.enqueue_indirect_dma source(%dma_start3A_45 : memref<1000000x64xf32, #tpu.memory_space<hbm>>) target(%dma_start3A_40 : memref<128x64xf32, #tpu.memory_space<vmem>>) offsets(%dma_start3A_42 : memref<128xi32, #tpu.memory_space<vmem>>) semaphore(%arg10 : memref<!tpu.dma_semaphore, #tpu.memory_space<semaphore_mem>>)
      %dma_start3A_46 = arith.constant 512 : i32
      %dma_start3A_47 = arith.constant 0 : i32
      %dma_start3A_48 = tpu.memref_slice %arg9[%dma_start3A_46, %dma_start3A_47] : memref<1024x64xf32, #tpu.memory_space<vmem>> -> memref<128x64xf32, #tpu.memory_space<vmem>>
      %dma_start3A_49 = arith.constant 512 : i32
      %dma_start3A_50 = tpu.memref_slice %arg7[%dma_start3A_49] : memref<1024xi32, #tpu.memory_space<vmem>> -> memref<128xi32, #tpu.memory_space<vmem>>
      %dma_start3A_51 = arith.constant 0 : i32
      %dma_start3A_52 = arith.constant 0 : i32
      %dma_start3A_53 = tpu.memref_slice %arg5[%dma_start3A_51, %dma_start3A_52] : memref<1000000x64xf32, #tpu.memory_space<hbm>> -> memref<1000000x64xf32, #tpu.memory_space<hbm>>
      tpu.enqueue_indirect_dma source(%dma_start3A_53 : memref<1000000x64xf32, #tpu.memory_space<hbm>>) target(%dma_start3A_48 : memref<128x64xf32, #tpu.memory_space<vmem>>) offsets(%dma_start3A_50 : memref<128xi32, #tpu.memory_space<vmem>>) semaphore(%arg10 : memref<!tpu.dma_semaphore, #tpu.memory_space<semaphore_mem>>)
      %dma_start3A_54 = arith.constant 640 : i32
      %dma_start3A_55 = arith.constant 0 : i32
      %dma_start3A_56 = tpu.memref_slice %arg9[%dma_start3A_54, %dma_start3A_55] : memref<1024x64xf32, #tpu.memory_space<vmem>> -> memref<128x64xf32, #tpu.memory_space<vmem>>
      %dma_start3A_57 = arith.constant 640 : i32
      %dma_start3A_58 = tpu.memref_slice %arg7[%dma_start3A_57] : memref<1024xi32, #tpu.memory_space<vmem>> -> memref<128xi32, #tpu.memory_space<vmem>>
      %dma_start3A_59 = arith.constant 0 : i32
      %dma_start3A_60 = arith.constant 0 : i32
      %dma_start3A_61 = tpu.memref_slice %arg5[%dma_start3A_59, %dma_start3A_60] : memref<1000000x64xf32, #tpu.memory_space<hbm>> -> memref<1000000x64xf32, #tpu.memory_space<hbm>>
      tpu.enqueue_indirect_dma source(%dma_start3A_61 : memref<1000000x64xf32, #tpu.memory_space<hbm>>) target(%dma_start3A_56 : memref<128x64xf32, #tpu.memory_space<vmem>>) offsets(%dma_start3A_58 : memref<128xi32, #tpu.memory_space<vmem>>) semaphore(%arg10 : memref<!tpu.dma_semaphore, #tpu.memory_space<semaphore_mem>>)
      %dma_start3A_62 = arith.constant 768 : i32
      %dma_start3A_63 = arith.constant 0 : i32
      %dma_start3A_64 = tpu.memref_slice %arg9[%dma_start3A_62, %dma_start3A_63] : memref<1024x64xf32, #tpu.memory_space<vmem>> -> memref<128x64xf32, #tpu.memory_space<vmem>>
      %dma_start3A_65 = arith.constant 768 : i32
      %dma_start3A_66 = tpu.memref_slice %arg7[%dma_start3A_65] : memref<1024xi32, #tpu.memory_space<vmem>> -> memref<128xi32, #tpu.memory_space<vmem>>
      %dma_start3A_67 = arith.constant 0 : i32
      %dma_start3A_68 = arith.constant 0 : i32
      %dma_start3A_69 = tpu.memref_slice %arg5[%dma_start3A_67, %dma_start3A_68] : memref<1000000x64xf32, #tpu.memory_space<hbm>> -> memref<1000000x64xf32, #tpu.memory_space<hbm>>
      tpu.enqueue_indirect_dma source(%dma_start3A_69 : memref<1000000x64xf32, #tpu.memory_space<hbm>>) target(%dma_start3A_64 : memref<128x64xf32, #tpu.memory_space<vmem>>) offsets(%dma_start3A_66 : memref<128xi32, #tpu.memory_space<vmem>>) semaphore(%arg10 : memref<!tpu.dma_semaphore, #tpu.memory_space<semaphore_mem>>)
      %dma_start3A_70 = arith.constant 896 : i32
      %dma_start3A_71 = arith.constant 0 : i32
      %dma_start3A_72 = tpu.memref_slice %arg9[%dma_start3A_70, %dma_start3A_71] : memref<1024x64xf32, #tpu.memory_space<vmem>> -> memref<128x64xf32, #tpu.memory_space<vmem>>
      %dma_start3A_73 = arith.constant 896 : i32
      %dma_start3A_74 = tpu.memref_slice %arg7[%dma_start3A_73] : memref<1024xi32, #tpu.memory_space<vmem>> -> memref<128xi32, #tpu.memory_space<vmem>>
      %dma_start3A_75 = arith.constant 0 : i32
      %dma_start3A_76 = arith.constant 0 : i32
      %dma_start3A_77 = tpu.memref_slice %arg5[%dma_start3A_75, %dma_start3A_76] : memref<1000000x64xf32, #tpu.memory_space<hbm>> -> memref<1000000x64xf32, #tpu.memory_space<hbm>>
      tpu.enqueue_indirect_dma source(%dma_start3A_77 : memref<1000000x64xf32, #tpu.memory_space<hbm>>) target(%dma_start3A_72 : memref<128x64xf32, #tpu.memory_space<vmem>>) offsets(%dma_start3A_74 : memref<128xi32, #tpu.memory_space<vmem>>) semaphore(%arg10 : memref<!tpu.dma_semaphore, #tpu.memory_space<semaphore_mem>>)
      %dma_wait3A = arith.constant 0 : i32
      %dma_wait3A_78 = arith.constant 0 : i32
      %dma_wait3A_79 = tpu.memref_slice %arg9[%dma_wait3A, %dma_wait3A_78] : memref<1024x64xf32, #tpu.memory_space<vmem>> -> memref<128x64xf32, #tpu.memory_space<vmem>>
      %dma_wait3A_80 = arith.constant 0 : i32
      %dma_wait3A_81 = tpu.memref_slice %arg7[%dma_wait3A_80] : memref<1024xi32, #tpu.memory_space<vmem>> -> memref<128xi32, #tpu.memory_space<vmem>>
      %dma_wait3A_82 = arith.constant 0 : i32
      %dma_wait3A_83 = arith.constant 0 : i32
      %dma_wait3A_84 = tpu.memref_slice %arg5[%dma_wait3A_82, %dma_wait3A_83] : memref<1000000x64xf32, #tpu.memory_space<hbm>> -> memref<1000000x64xf32, #tpu.memory_space<hbm>>
      tpu.wait_indirect_dma semaphore(%arg10 : memref<!tpu.dma_semaphore, #tpu.memory_space<semaphore_mem>>) src(%dma_wait3A_84 : memref<1000000x64xf32, #tpu.memory_space<hbm>>) dst(%dma_wait3A_79 : memref<128x64xf32, #tpu.memory_space<vmem>>)
      %dma_wait3A_85 = arith.constant 128 : i32
      %dma_wait3A_86 = arith.constant 0 : i32
      %dma_wait3A_87 = tpu.memref_slice %arg9[%dma_wait3A_85, %dma_wait3A_86] : memref<1024x64xf32, #tpu.memory_space<vmem>> -> memref<128x64xf32, #tpu.memory_space<vmem>>
      %dma_wait3A_88 = arith.constant 128 : i32
      %dma_wait3A_89 = tpu.memref_slice %arg7[%dma_wait3A_88] : memref<1024xi32, #tpu.memory_space<vmem>> -> memref<128xi32, #tpu.memory_space<vmem>>
      %dma_wait3A_90 = arith.constant 0 : i32
      %dma_wait3A_91 = arith.constant 0 : i32
      %dma_wait3A_92 = tpu.memref_slice %arg5[%dma_wait3A_90, %dma_wait3A_91] : memref<1000000x64xf32, #tpu.memory_space<hbm>> -> memref<1000000x64xf32, #tpu.memory_space<hbm>>
      tpu.wait_indirect_dma semaphore(%arg10 : memref<!tpu.dma_semaphore, #tpu.memory_space<semaphore_mem>>) src(%dma_wait3A_92 : memref<1000000x64xf32, #tpu.memory_space<hbm>>) dst(%dma_wait3A_87 : memref<128x64xf32, #tpu.memory_space<vmem>>)
      %dma_wait3A_93 = arith.constant 256 : i32
      %dma_wait3A_94 = arith.constant 0 : i32
      %dma_wait3A_95 = tpu.memref_slice %arg9[%dma_wait3A_93, %dma_wait3A_94] : memref<1024x64xf32, #tpu.memory_space<vmem>> -> memref<128x64xf32, #tpu.memory_space<vmem>>
      %dma_wait3A_96 = arith.constant 256 : i32
      %dma_wait3A_97 = tpu.memref_slice %arg7[%dma_wait3A_96] : memref<1024xi32, #tpu.memory_space<vmem>> -> memref<128xi32, #tpu.memory_space<vmem>>
      %dma_wait3A_98 = arith.constant 0 : i32
      %dma_wait3A_99 = arith.constant 0 : i32
      %dma_wait3A_100 = tpu.memref_slice %arg5[%dma_wait3A_98, %dma_wait3A_99] : memref<1000000x64xf32, #tpu.memory_space<hbm>> -> memref<1000000x64xf32, #tpu.memory_space<hbm>>
      tpu.wait_indirect_dma semaphore(%arg10 : memref<!tpu.dma_semaphore, #tpu.memory_space<semaphore_mem>>) src(%dma_wait3A_100 : memref<1000000x64xf32, #tpu.memory_space<hbm>>) dst(%dma_wait3A_95 : memref<128x64xf32, #tpu.memory_space<vmem>>)
      %dma_wait3A_101 = arith.constant 384 : i32
      %dma_wait3A_102 = arith.constant 0 : i32
      %dma_wait3A_103 = tpu.memref_slice %arg9[%dma_wait3A_101, %dma_wait3A_102] : memref<1024x64xf32, #tpu.memory_space<vmem>> -> memref<128x64xf32, #tpu.memory_space<vmem>>
      %dma_wait3A_104 = arith.constant 384 : i32
      %dma_wait3A_105 = tpu.memref_slice %arg7[%dma_wait3A_104] : memref<1024xi32, #tpu.memory_space<vmem>> -> memref<128xi32, #tpu.memory_space<vmem>>
      %dma_wait3A_106 = arith.constant 0 : i32
      %dma_wait3A_107 = arith.constant 0 : i32
      %dma_wait3A_108 = tpu.memref_slice %arg5[%dma_wait3A_106, %dma_wait3A_107] : memref<1000000x64xf32, #tpu.memory_space<hbm>> -> memref<1000000x64xf32, #tpu.memory_space<hbm>>
      tpu.wait_indirect_dma semaphore(%arg10 : memref<!tpu.dma_semaphore, #tpu.memory_space<semaphore_mem>>) src(%dma_wait3A_108 : memref<1000000x64xf32, #tpu.memory_space<hbm>>) dst(%dma_wait3A_103 : memref<128x64xf32, #tpu.memory_space<vmem>>)
      %dma_wait3A_109 = arith.constant 512 : i32
      %dma_wait3A_110 = arith.constant 0 : i32
      %dma_wait3A_111 = tpu.memref_slice %arg9[%dma_wait3A_109, %dma_wait3A_110] : memref<1024x64xf32, #tpu.memory_space<vmem>> -> memref<128x64xf32, #tpu.memory_space<vmem>>
      %dma_wait3A_112 = arith.constant 512 : i32
      %dma_wait3A_113 = tpu.memref_slice %arg7[%dma_wait3A_112] : memref<1024xi32, #tpu.memory_space<vmem>> -> memref<128xi32, #tpu.memory_space<vmem>>
      %dma_wait3A_114 = arith.constant 0 : i32
      %dma_wait3A_115 = arith.constant 0 : i32
      %dma_wait3A_116 = tpu.memref_slice %arg5[%dma_wait3A_114, %dma_wait3A_115] : memref<1000000x64xf32, #tpu.memory_space<hbm>> -> memref<1000000x64xf32, #tpu.memory_space<hbm>>
      tpu.wait_indirect_dma semaphore(%arg10 : memref<!tpu.dma_semaphore, #tpu.memory_space<semaphore_mem>>) src(%dma_wait3A_116 : memref<1000000x64xf32, #tpu.memory_space<hbm>>) dst(%dma_wait3A_111 : memref<128x64xf32, #tpu.memory_space<vmem>>)
      %dma_wait3A_117 = arith.constant 640 : i32
      %dma_wait3A_118 = arith.constant 0 : i32
      %dma_wait3A_119 = tpu.memref_slice %arg9[%dma_wait3A_117, %dma_wait3A_118] : memref<1024x64xf32, #tpu.memory_space<vmem>> -> memref<128x64xf32, #tpu.memory_space<vmem>>
      %dma_wait3A_120 = arith.constant 640 : i32
      %dma_wait3A_121 = tpu.memref_slice %arg7[%dma_wait3A_120] : memref<1024xi32, #tpu.memory_space<vmem>> -> memref<128xi32, #tpu.memory_space<vmem>>
      %dma_wait3A_122 = arith.constant 0 : i32
      %dma_wait3A_123 = arith.constant 0 : i32
      %dma_wait3A_124 = tpu.memref_slice %arg5[%dma_wait3A_122, %dma_wait3A_123] : memref<1000000x64xf32, #tpu.memory_space<hbm>> -> memref<1000000x64xf32, #tpu.memory_space<hbm>>
      tpu.wait_indirect_dma semaphore(%arg10 : memref<!tpu.dma_semaphore, #tpu.memory_space<semaphore_mem>>) src(%dma_wait3A_124 : memref<1000000x64xf32, #tpu.memory_space<hbm>>) dst(%dma_wait3A_119 : memref<128x64xf32, #tpu.memory_space<vmem>>)
      %dma_wait3A_125 = arith.constant 768 : i32
      %dma_wait3A_126 = arith.constant 0 : i32
      %dma_wait3A_127 = tpu.memref_slice %arg9[%dma_wait3A_125, %dma_wait3A_126] : memref<1024x64xf32, #tpu.memory_space<vmem>> -> memref<128x64xf32, #tpu.memory_space<vmem>>
      %dma_wait3A_128 = arith.constant 768 : i32
      %dma_wait3A_129 = tpu.memref_slice %arg7[%dma_wait3A_128] : memref<1024xi32, #tpu.memory_space<vmem>> -> memref<128xi32, #tpu.memory_space<vmem>>
      %dma_wait3A_130 = arith.constant 0 : i32
      %dma_wait3A_131 = arith.constant 0 : i32
      %dma_wait3A_132 = tpu.memref_slice %arg5[%dma_wait3A_130, %dma_wait3A_131] : memref<1000000x64xf32, #tpu.memory_space<hbm>> -> memref<1000000x64xf32, #tpu.memory_space<hbm>>
      tpu.wait_indirect_dma semaphore(%arg10 : memref<!tpu.dma_semaphore, #tpu.memory_space<semaphore_mem>>) src(%dma_wait3A_132 : memref<1000000x64xf32, #tpu.memory_space<hbm>>) dst(%dma_wait3A_127 : memref<128x64xf32, #tpu.memory_space<vmem>>)
      %dma_wait3A_133 = arith.constant 896 : i32
      %dma_wait3A_134 = arith.constant 0 : i32
      %dma_wait3A_135 = tpu.memref_slice %arg9[%dma_wait3A_133, %dma_wait3A_134] : memref<1024x64xf32, #tpu.memory_space<vmem>> -> memref<128x64xf32, #tpu.memory_space<vmem>>
      %dma_wait3A_136 = arith.constant 896 : i32
      %dma_wait3A_137 = tpu.memref_slice %arg7[%dma_wait3A_136] : memref<1024xi32, #tpu.memory_space<vmem>> -> memref<128xi32, #tpu.memory_space<vmem>>
      %dma_wait3A_138 = arith.constant 0 : i32
      %dma_wait3A_139 = arith.constant 0 : i32
      %dma_wait3A_140 = tpu.memref_slice %arg5[%dma_wait3A_138, %dma_wait3A_139] : memref<1000000x64xf32, #tpu.memory_space<hbm>> -> memref<1000000x64xf32, #tpu.memory_space<hbm>>
      tpu.wait_indirect_dma semaphore(%arg10 : memref<!tpu.dma_semaphore, #tpu.memory_space<semaphore_mem>>) src(%dma_wait3A_140 : memref<1000000x64xf32, #tpu.memory_space<hbm>>) dst(%dma_wait3A_135 : memref<128x64xf32, #tpu.memory_space<vmem>>)
      %dma_start3A_141 = arith.constant 0 : i32
      %dma_start3A_142 = arith.constant 0 : i32
      %dma_start3A_143 = tpu.memref_slice %arg9[%dma_start3A_141, %dma_start3A_142] : memref<1024x64xf32, #tpu.memory_space<vmem>> -> memref<128x64xf32, #tpu.memory_space<vmem>>
      %dma_start3A_144 = arith.constant 0 : i32
      %dma_start3A_145 = tpu.memref_slice %arg8[%dma_start3A_144] : memref<1024xi32, #tpu.memory_space<vmem>> -> memref<128xi32, #tpu.memory_space<vmem>>
      %dma_start3A_146 = arith.constant 0 : i32
      %dma_start3A_147 = arith.constant 0 : i32
      %dma_start3A_148 = tpu.memref_slice %arg4[%dma_start3A_146, %dma_start3A_147] : memref<64512x64xf32, #tpu.memory_space<hbm>> -> memref<64512x64xf32, #tpu.memory_space<hbm>>
      tpu.enqueue_indirect_dma source(%dma_start3A_148 : memref<64512x64xf32, #tpu.memory_space<hbm>>) target(%dma_start3A_143 : memref<128x64xf32, #tpu.memory_space<vmem>>) offsets(%dma_start3A_145 : memref<128xi32, #tpu.memory_space<vmem>>) semaphore(%arg10 : memref<!tpu.dma_semaphore, #tpu.memory_space<semaphore_mem>>) {add = true}
      %dma_start3A_149 = arith.constant 128 : i32
      %dma_start3A_150 = arith.constant 0 : i32
      %dma_start3A_151 = tpu.memref_slice %arg9[%dma_start3A_149, %dma_start3A_150] : memref<1024x64xf32, #tpu.memory_space<vmem>> -> memref<128x64xf32, #tpu.memory_space<vmem>>
      %dma_start3A_152 = arith.constant 128 : i32
      %dma_start3A_153 = tpu.memref_slice %arg8[%dma_start3A_152] : memref<1024xi32, #tpu.memory_space<vmem>> -> memref<128xi32, #tpu.memory_space<vmem>>
      %dma_start3A_154 = arith.constant 0 : i32
      %dma_start3A_155 = arith.constant 0 : i32
      %dma_start3A_156 = tpu.memref_slice %arg4[%dma_start3A_154, %dma_start3A_155] : memref<64512x64xf32, #tpu.memory_space<hbm>> -> memref<64512x64xf32, #tpu.memory_space<hbm>>
      tpu.enqueue_indirect_dma source(%dma_start3A_156 : memref<64512x64xf32, #tpu.memory_space<hbm>>) target(%dma_start3A_151 : memref<128x64xf32, #tpu.memory_space<vmem>>) offsets(%dma_start3A_153 : memref<128xi32, #tpu.memory_space<vmem>>) semaphore(%arg10 : memref<!tpu.dma_semaphore, #tpu.memory_space<semaphore_mem>>) {add = true}
      %dma_start3A_157 = arith.constant 256 : i32
      %dma_start3A_158 = arith.constant 0 : i32
      %dma_start3A_159 = tpu.memref_slice %arg9[%dma_start3A_157, %dma_start3A_158] : memref<1024x64xf32, #tpu.memory_space<vmem>> -> memref<128x64xf32, #tpu.memory_space<vmem>>
      %dma_start3A_160 = arith.constant 256 : i32
      %dma_start3A_161 = tpu.memref_slice %arg8[%dma_start3A_160] : memref<1024xi32, #tpu.memory_space<vmem>> -> memref<128xi32, #tpu.memory_space<vmem>>
      %dma_start3A_162 = arith.constant 0 : i32
      %dma_start3A_163 = arith.constant 0 : i32
      %dma_start3A_164 = tpu.memref_slice %arg4[%dma_start3A_162, %dma_start3A_163] : memref<64512x64xf32, #tpu.memory_space<hbm>> -> memref<64512x64xf32, #tpu.memory_space<hbm>>
      tpu.enqueue_indirect_dma source(%dma_start3A_164 : memref<64512x64xf32, #tpu.memory_space<hbm>>) target(%dma_start3A_159 : memref<128x64xf32, #tpu.memory_space<vmem>>) offsets(%dma_start3A_161 : memref<128xi32, #tpu.memory_space<vmem>>) semaphore(%arg10 : memref<!tpu.dma_semaphore, #tpu.memory_space<semaphore_mem>>) {add = true}
      %dma_start3A_165 = arith.constant 384 : i32
      %dma_start3A_166 = arith.constant 0 : i32
      %dma_start3A_167 = tpu.memref_slice %arg9[%dma_start3A_165, %dma_start3A_166] : memref<1024x64xf32, #tpu.memory_space<vmem>> -> memref<128x64xf32, #tpu.memory_space<vmem>>
      %dma_start3A_168 = arith.constant 384 : i32
      %dma_start3A_169 = tpu.memref_slice %arg8[%dma_start3A_168] : memref<1024xi32, #tpu.memory_space<vmem>> -> memref<128xi32, #tpu.memory_space<vmem>>
      %dma_start3A_170 = arith.constant 0 : i32
      %dma_start3A_171 = arith.constant 0 : i32
      %dma_start3A_172 = tpu.memref_slice %arg4[%dma_start3A_170, %dma_start3A_171] : memref<64512x64xf32, #tpu.memory_space<hbm>> -> memref<64512x64xf32, #tpu.memory_space<hbm>>
      tpu.enqueue_indirect_dma source(%dma_start3A_172 : memref<64512x64xf32, #tpu.memory_space<hbm>>) target(%dma_start3A_167 : memref<128x64xf32, #tpu.memory_space<vmem>>) offsets(%dma_start3A_169 : memref<128xi32, #tpu.memory_space<vmem>>) semaphore(%arg10 : memref<!tpu.dma_semaphore, #tpu.memory_space<semaphore_mem>>) {add = true}
      %dma_start3A_173 = arith.constant 512 : i32
      %dma_start3A_174 = arith.constant 0 : i32
      %dma_start3A_175 = tpu.memref_slice %arg9[%dma_start3A_173, %dma_start3A_174] : memref<1024x64xf32, #tpu.memory_space<vmem>> -> memref<128x64xf32, #tpu.memory_space<vmem>>
      %dma_start3A_176 = arith.constant 512 : i32
      %dma_start3A_177 = tpu.memref_slice %arg8[%dma_start3A_176] : memref<1024xi32, #tpu.memory_space<vmem>> -> memref<128xi32, #tpu.memory_space<vmem>>
      %dma_start3A_178 = arith.constant 0 : i32
      %dma_start3A_179 = arith.constant 0 : i32
      %dma_start3A_180 = tpu.memref_slice %arg4[%dma_start3A_178, %dma_start3A_179] : memref<64512x64xf32, #tpu.memory_space<hbm>> -> memref<64512x64xf32, #tpu.memory_space<hbm>>
      tpu.enqueue_indirect_dma source(%dma_start3A_180 : memref<64512x64xf32, #tpu.memory_space<hbm>>) target(%dma_start3A_175 : memref<128x64xf32, #tpu.memory_space<vmem>>) offsets(%dma_start3A_177 : memref<128xi32, #tpu.memory_space<vmem>>) semaphore(%arg10 : memref<!tpu.dma_semaphore, #tpu.memory_space<semaphore_mem>>) {add = true}
      %dma_start3A_181 = arith.constant 640 : i32
      %dma_start3A_182 = arith.constant 0 : i32
      %dma_start3A_183 = tpu.memref_slice %arg9[%dma_start3A_181, %dma_start3A_182] : memref<1024x64xf32, #tpu.memory_space<vmem>> -> memref<128x64xf32, #tpu.memory_space<vmem>>
      %dma_start3A_184 = arith.constant 640 : i32
      %dma_start3A_185 = tpu.memref_slice %arg8[%dma_start3A_184] : memref<1024xi32, #tpu.memory_space<vmem>> -> memref<128xi32, #tpu.memory_space<vmem>>
      %dma_start3A_186 = arith.constant 0 : i32
      %dma_start3A_187 = arith.constant 0 : i32
      %dma_start3A_188 = tpu.memref_slice %arg4[%dma_start3A_186, %dma_start3A_187] : memref<64512x64xf32, #tpu.memory_space<hbm>> -> memref<64512x64xf32, #tpu.memory_space<hbm>>
      tpu.enqueue_indirect_dma source(%dma_start3A_188 : memref<64512x64xf32, #tpu.memory_space<hbm>>) target(%dma_start3A_183 : memref<128x64xf32, #tpu.memory_space<vmem>>) offsets(%dma_start3A_185 : memref<128xi32, #tpu.memory_space<vmem>>) semaphore(%arg10 : memref<!tpu.dma_semaphore, #tpu.memory_space<semaphore_mem>>) {add = true}
      %dma_start3A_189 = arith.constant 768 : i32
      %dma_start3A_190 = arith.constant 0 : i32
      %dma_start3A_191 = tpu.memref_slice %arg9[%dma_start3A_189, %dma_start3A_190] : memref<1024x64xf32, #tpu.memory_space<vmem>> -> memref<128x64xf32, #tpu.memory_space<vmem>>
      %dma_start3A_192 = arith.constant 768 : i32
      %dma_start3A_193 = tpu.memref_slice %arg8[%dma_start3A_192] : memref<1024xi32, #tpu.memory_space<vmem>> -> memref<128xi32, #tpu.memory_space<vmem>>
      %dma_start3A_194 = arith.constant 0 : i32
      %dma_start3A_195 = arith.constant 0 : i32
      %dma_start3A_196 = tpu.memref_slice %arg4[%dma_start3A_194, %dma_start3A_195] : memref<64512x64xf32, #tpu.memory_space<hbm>> -> memref<64512x64xf32, #tpu.memory_space<hbm>>
      tpu.enqueue_indirect_dma source(%dma_start3A_196 : memref<64512x64xf32, #tpu.memory_space<hbm>>) target(%dma_start3A_191 : memref<128x64xf32, #tpu.memory_space<vmem>>) offsets(%dma_start3A_193 : memref<128xi32, #tpu.memory_space<vmem>>) semaphore(%arg10 : memref<!tpu.dma_semaphore, #tpu.memory_space<semaphore_mem>>) {add = true}
      %dma_start3A_197 = arith.constant 896 : i32
      %dma_start3A_198 = arith.constant 0 : i32
      %dma_start3A_199 = tpu.memref_slice %arg9[%dma_start3A_197, %dma_start3A_198] : memref<1024x64xf32, #tpu.memory_space<vmem>> -> memref<128x64xf32, #tpu.memory_space<vmem>>
      %dma_start3A_200 = arith.constant 896 : i32
      %dma_start3A_201 = tpu.memref_slice %arg8[%dma_start3A_200] : memref<1024xi32, #tpu.memory_space<vmem>> -> memref<128xi32, #tpu.memory_space<vmem>>
      %dma_start3A_202 = arith.constant 0 : i32
      %dma_start3A_203 = arith.constant 0 : i32
      %dma_start3A_204 = tpu.memref_slice %arg4[%dma_start3A_202, %dma_start3A_203] : memref<64512x64xf32, #tpu.memory_space<hbm>> -> memref<64512x64xf32, #tpu.memory_space<hbm>>
      tpu.enqueue_indirect_dma source(%dma_start3A_204 : memref<64512x64xf32, #tpu.memory_space<hbm>>) target(%dma_start3A_199 : memref<128x64xf32, #tpu.memory_space<vmem>>) offsets(%dma_start3A_201 : memref<128xi32, #tpu.memory_space<vmem>>) semaphore(%arg10 : memref<!tpu.dma_semaphore, #tpu.memory_space<semaphore_mem>>) {add = true}
      %dma_wait3A_205 = arith.constant 0 : i32
      %dma_wait3A_206 = arith.constant 0 : i32
      %dma_wait3A_207 = tpu.memref_slice %arg9[%dma_wait3A_205, %dma_wait3A_206] : memref<1024x64xf32, #tpu.memory_space<vmem>> -> memref<128x64xf32, #tpu.memory_space<vmem>>
      %dma_wait3A_208 = arith.constant 0 : i32
      %dma_wait3A_209 = tpu.memref_slice %arg8[%dma_wait3A_208] : memref<1024xi32, #tpu.memory_space<vmem>> -> memref<128xi32, #tpu.memory_space<vmem>>
      %dma_wait3A_210 = arith.constant 0 : i32
      %dma_wait3A_211 = arith.constant 0 : i32
      %dma_wait3A_212 = tpu.memref_slice %arg4[%dma_wait3A_210, %dma_wait3A_211] : memref<64512x64xf32, #tpu.memory_space<hbm>> -> memref<64512x64xf32, #tpu.memory_space<hbm>>
      tpu.wait_indirect_dma semaphore(%arg10 : memref<!tpu.dma_semaphore, #tpu.memory_space<semaphore_mem>>) src(%dma_wait3A_212 : memref<64512x64xf32, #tpu.memory_space<hbm>>) dst(%dma_wait3A_207 : memref<128x64xf32, #tpu.memory_space<vmem>>)
      %dma_wait3A_213 = arith.constant 128 : i32
      %dma_wait3A_214 = arith.constant 0 : i32
      %dma_wait3A_215 = tpu.memref_slice %arg9[%dma_wait3A_213, %dma_wait3A_214] : memref<1024x64xf32, #tpu.memory_space<vmem>> -> memref<128x64xf32, #tpu.memory_space<vmem>>
      %dma_wait3A_216 = arith.constant 128 : i32
      %dma_wait3A_217 = tpu.memref_slice %arg8[%dma_wait3A_216] : memref<1024xi32, #tpu.memory_space<vmem>> -> memref<128xi32, #tpu.memory_space<vmem>>
      %dma_wait3A_218 = arith.constant 0 : i32
      %dma_wait3A_219 = arith.constant 0 : i32
      %dma_wait3A_220 = tpu.memref_slice %arg4[%dma_wait3A_218, %dma_wait3A_219] : memref<64512x64xf32, #tpu.memory_space<hbm>> -> memref<64512x64xf32, #tpu.memory_space<hbm>>
      tpu.wait_indirect_dma semaphore(%arg10 : memref<!tpu.dma_semaphore, #tpu.memory_space<semaphore_mem>>) src(%dma_wait3A_220 : memref<64512x64xf32, #tpu.memory_space<hbm>>) dst(%dma_wait3A_215 : memref<128x64xf32, #tpu.memory_space<vmem>>)
      %dma_wait3A_221 = arith.constant 256 : i32
      %dma_wait3A_222 = arith.constant 0 : i32
      %dma_wait3A_223 = tpu.memref_slice %arg9[%dma_wait3A_221, %dma_wait3A_222] : memref<1024x64xf32, #tpu.memory_space<vmem>> -> memref<128x64xf32, #tpu.memory_space<vmem>>
      %dma_wait3A_224 = arith.constant 256 : i32
      %dma_wait3A_225 = tpu.memref_slice %arg8[%dma_wait3A_224] : memref<1024xi32, #tpu.memory_space<vmem>> -> memref<128xi32, #tpu.memory_space<vmem>>
      %dma_wait3A_226 = arith.constant 0 : i32
      %dma_wait3A_227 = arith.constant 0 : i32
      %dma_wait3A_228 = tpu.memref_slice %arg4[%dma_wait3A_226, %dma_wait3A_227] : memref<64512x64xf32, #tpu.memory_space<hbm>> -> memref<64512x64xf32, #tpu.memory_space<hbm>>
      tpu.wait_indirect_dma semaphore(%arg10 : memref<!tpu.dma_semaphore, #tpu.memory_space<semaphore_mem>>) src(%dma_wait3A_228 : memref<64512x64xf32, #tpu.memory_space<hbm>>) dst(%dma_wait3A_223 : memref<128x64xf32, #tpu.memory_space<vmem>>)
      %dma_wait3A_229 = arith.constant 384 : i32
      %dma_wait3A_230 = arith.constant 0 : i32
      %dma_wait3A_231 = tpu.memref_slice %arg9[%dma_wait3A_229, %dma_wait3A_230] : memref<1024x64xf32, #tpu.memory_space<vmem>> -> memref<128x64xf32, #tpu.memory_space<vmem>>
      %dma_wait3A_232 = arith.constant 384 : i32
      %dma_wait3A_233 = tpu.memref_slice %arg8[%dma_wait3A_232] : memref<1024xi32, #tpu.memory_space<vmem>> -> memref<128xi32, #tpu.memory_space<vmem>>
      %dma_wait3A_234 = arith.constant 0 : i32
      %dma_wait3A_235 = arith.constant 0 : i32
      %dma_wait3A_236 = tpu.memref_slice %arg4[%dma_wait3A_234, %dma_wait3A_235] : memref<64512x64xf32, #tpu.memory_space<hbm>> -> memref<64512x64xf32, #tpu.memory_space<hbm>>
      tpu.wait_indirect_dma semaphore(%arg10 : memref<!tpu.dma_semaphore, #tpu.memory_space<semaphore_mem>>) src(%dma_wait3A_236 : memref<64512x64xf32, #tpu.memory_space<hbm>>) dst(%dma_wait3A_231 : memref<128x64xf32, #tpu.memory_space<vmem>>)
      %dma_wait3A_237 = arith.constant 512 : i32
      %dma_wait3A_238 = arith.constant 0 : i32
      %dma_wait3A_239 = tpu.memref_slice %arg9[%dma_wait3A_237, %dma_wait3A_238] : memref<1024x64xf32, #tpu.memory_space<vmem>> -> memref<128x64xf32, #tpu.memory_space<vmem>>
      %dma_wait3A_240 = arith.constant 512 : i32
      %dma_wait3A_241 = tpu.memref_slice %arg8[%dma_wait3A_240] : memref<1024xi32, #tpu.memory_space<vmem>> -> memref<128xi32, #tpu.memory_space<vmem>>
      %dma_wait3A_242 = arith.constant 0 : i32
      %dma_wait3A_243 = arith.constant 0 : i32
      %dma_wait3A_244 = tpu.memref_slice %arg4[%dma_wait3A_242, %dma_wait3A_243] : memref<64512x64xf32, #tpu.memory_space<hbm>> -> memref<64512x64xf32, #tpu.memory_space<hbm>>
      tpu.wait_indirect_dma semaphore(%arg10 : memref<!tpu.dma_semaphore, #tpu.memory_space<semaphore_mem>>) src(%dma_wait3A_244 : memref<64512x64xf32, #tpu.memory_space<hbm>>) dst(%dma_wait3A_239 : memref<128x64xf32, #tpu.memory_space<vmem>>)
      %dma_wait3A_245 = arith.constant 640 : i32
      %dma_wait3A_246 = arith.constant 0 : i32
      %dma_wait3A_247 = tpu.memref_slice %arg9[%dma_wait3A_245, %dma_wait3A_246] : memref<1024x64xf32, #tpu.memory_space<vmem>> -> memref<128x64xf32, #tpu.memory_space<vmem>>
      %dma_wait3A_248 = arith.constant 640 : i32
      %dma_wait3A_249 = tpu.memref_slice %arg8[%dma_wait3A_248] : memref<1024xi32, #tpu.memory_space<vmem>> -> memref<128xi32, #tpu.memory_space<vmem>>
      %dma_wait3A_250 = arith.constant 0 : i32
      %dma_wait3A_251 = arith.constant 0 : i32
      %dma_wait3A_252 = tpu.memref_slice %arg4[%dma_wait3A_250, %dma_wait3A_251] : memref<64512x64xf32, #tpu.memory_space<hbm>> -> memref<64512x64xf32, #tpu.memory_space<hbm>>
      tpu.wait_indirect_dma semaphore(%arg10 : memref<!tpu.dma_semaphore, #tpu.memory_space<semaphore_mem>>) src(%dma_wait3A_252 : memref<64512x64xf32, #tpu.memory_space<hbm>>) dst(%dma_wait3A_247 : memref<128x64xf32, #tpu.memory_space<vmem>>)
      %dma_wait3A_253 = arith.constant 768 : i32
      %dma_wait3A_254 = arith.constant 0 : i32
      %dma_wait3A_255 = tpu.memref_slice %arg9[%dma_wait3A_253, %dma_wait3A_254] : memref<1024x64xf32, #tpu.memory_space<vmem>> -> memref<128x64xf32, #tpu.memory_space<vmem>>
      %dma_wait3A_256 = arith.constant 768 : i32
      %dma_wait3A_257 = tpu.memref_slice %arg8[%dma_wait3A_256] : memref<1024xi32, #tpu.memory_space<vmem>> -> memref<128xi32, #tpu.memory_space<vmem>>
      %dma_wait3A_258 = arith.constant 0 : i32
      %dma_wait3A_259 = arith.constant 0 : i32
      %dma_wait3A_260 = tpu.memref_slice %arg4[%dma_wait3A_258, %dma_wait3A_259] : memref<64512x64xf32, #tpu.memory_space<hbm>> -> memref<64512x64xf32, #tpu.memory_space<hbm>>
      tpu.wait_indirect_dma semaphore(%arg10 : memref<!tpu.dma_semaphore, #tpu.memory_space<semaphore_mem>>) src(%dma_wait3A_260 : memref<64512x64xf32, #tpu.memory_space<hbm>>) dst(%dma_wait3A_255 : memref<128x64xf32, #tpu.memory_space<vmem>>)
      %dma_wait3A_261 = arith.constant 896 : i32
      %dma_wait3A_262 = arith.constant 0 : i32
      %dma_wait3A_263 = tpu.memref_slice %arg9[%dma_wait3A_261, %dma_wait3A_262] : memref<1024x64xf32, #tpu.memory_space<vmem>> -> memref<128x64xf32, #tpu.memory_space<vmem>>
      %dma_wait3A_264 = arith.constant 896 : i32
      %dma_wait3A_265 = tpu.memref_slice %arg8[%dma_wait3A_264] : memref<1024xi32, #tpu.memory_space<vmem>> -> memref<128xi32, #tpu.memory_space<vmem>>
      %dma_wait3A_266 = arith.constant 0 : i32
      %dma_wait3A_267 = arith.constant 0 : i32
      %dma_wait3A_268 = tpu.memref_slice %arg4[%dma_wait3A_266, %dma_wait3A_267] : memref<64512x64xf32, #tpu.memory_space<hbm>> -> memref<64512x64xf32, #tpu.memory_space<hbm>>
      tpu.wait_indirect_dma semaphore(%arg10 : memref<!tpu.dma_semaphore, #tpu.memory_space<semaphore_mem>>) src(%dma_wait3A_268 : memref<64512x64xf32, #tpu.memory_space<hbm>>) dst(%dma_wait3A_263 : memref<128x64xf32, #tpu.memory_space<vmem>>)
      "tpu.region"() ({
        %run_scoped3A = tpu.sem_alloc : memref<!tpu.dma_semaphore, #tpu.memory_space<semaphore_mem>>
        %dma_start3A_269 = arith.constant 0 : i32
        %dma_start3A_270 = tpu.memref_slice %arg6[%add3A_14, %dma_start3A_269] : memref<819200x64xf32, #tpu.memory_space<hbm>> -> memref<1024x64xf32, #tpu.memory_space<hbm>>
        %dma_start3A_271 = arith.constant 0 : i32
        %dma_start3A_272 = tpu.memref_slice %arg6[%add3A_14, %dma_start3A_271] : memref<819200x64xf32, #tpu.memory_space<hbm>> -> memref<1024x64xf32, #tpu.memory_space<hbm>>
        tpu.enqueue_dma source(%arg9 : memref<1024x64xf32, #tpu.memory_space<vmem>>) target(%dma_start3A_272 : memref<1024x64xf32, #tpu.memory_space<hbm>>) target_semaphore(%run_scoped3A : memref<!tpu.dma_semaphore, #tpu.memory_space<semaphore_mem>>)
        %dma_wait3A_273 = arith.constant 0 : i32
        %dma_wait3A_274 = tpu.memref_slice %arg6[%add3A_14, %dma_wait3A_273] : memref<819200x64xf32, #tpu.memory_space<hbm>> -> memref<1024x64xf32, #tpu.memory_space<hbm>>
        %dma_wait3A_275 = arith.constant 0 : i32
        %dma_wait3A_276 = tpu.memref_slice %arg6[%add3A_14, %dma_wait3A_275] : memref<819200x64xf32, #tpu.memory_space<hbm>> -> memref<1024x64xf32, #tpu.memory_space<hbm>>
        tpu.wait_dma2 semaphore(%run_scoped3A : memref<!tpu.dma_semaphore, #tpu.memory_space<semaphore_mem>>) src(%arg9 : memref<1024x64xf32, #tpu.memory_space<vmem>>) dst(%dma_wait3A_276 : memref<1024x64xf32, #tpu.memory_space<hbm>>)
        tpu.yield
      }) : () -> ()
    }
    %scan3A_4 = arith.constant 25 : i32
    return
  }
}

module attributes {stable_mosaic.version = 14 : i64} {
  func.func @_comb_body(%arg0: i32, %arg1: memref<4x64xf32, #tpu.memory_space<vmem>>, %arg2: memref<24x64xf32, #tpu.memory_space<vmem>>, %arg3: memref<7x64xf32, #tpu.memory_space<vmem>>, %arg4: memref<96x64xf32, #tpu.memory_space<vmem>>, %arg5: memref<1x96x96x64xf32, #tpu.memory_space<vmem>>) attributes {dimension_semantics = [#tpu.dimension_semantics<arbitrary>], iteration_bounds = array<i64: 7>, scalar_prefetch = 0 : i64, scratch_operands = 0 : i64, tpu.core_type = #tpu.core_type<tc>, window_params = [{pipeline_mode = #tpu.pipeline_mode<synchronous>, transform_indices = @transform_0, window_bounds = array<i64: 4, 64>}, {pipeline_mode = #tpu.pipeline_mode<synchronous>, transform_indices = @transform_1, window_bounds = array<i64: 24, 64>}, {pipeline_mode = #tpu.pipeline_mode<synchronous>, transform_indices = @transform_2, window_bounds = array<i64: 7, 64>}, {pipeline_mode = #tpu.pipeline_mode<synchronous>, transform_indices = @transform_3, window_bounds = array<i64: 96, 64>}, {transform_indices = @transform_4, window_bounds = array<i64: 1, 96, 96, 64>}]} {
    %get3A = arith.constant 0 : index
    %get3A_0 = arith.constant 0 : index
    %get3A_1 = vector.load %arg2[%get3A, %get3A_0] : memref<24x64xf32, #tpu.memory_space<vmem>>, vector<24x64xf32>
    %broadcast_in_dim3A = vector.shape_cast %get3A_1 : vector<24x64xf32> to vector<24x1x64xf32>
    %broadcast_in_dim3A_2 = vector.shape_cast %broadcast_in_dim3A : vector<24x1x64xf32> to vector<24x1x64xf32>
    %broadcast_in_dim3A_3 = vector.broadcast %broadcast_in_dim3A_2 : vector<24x1x64xf32> to vector<24x4x64xf32>
    %get3A_4 = arith.constant 0 : index
    %get3A_5 = arith.constant 0 : index
    %get3A_6 = vector.load %arg1[%get3A_4, %get3A_5] : memref<4x64xf32, #tpu.memory_space<vmem>>, vector<4x64xf32>
    %broadcast_in_dim3A_7 = vector.shape_cast %get3A_6 : vector<4x64xf32> to vector<1x4x64xf32>
    %broadcast_in_dim3A_8 = vector.shape_cast %broadcast_in_dim3A_7 : vector<1x4x64xf32> to vector<1x4x64xf32>
    %broadcast_in_dim3A_9 = vector.broadcast %broadcast_in_dim3A_8 : vector<1x4x64xf32> to vector<24x4x64xf32>
    %add3A = arith.addf %broadcast_in_dim3A_3, %broadcast_in_dim3A_9 : vector<24x4x64xf32>
    %reshape3A = vector.shape_cast %add3A : vector<24x4x64xf32> to vector<96x64xf32>
    %iota3A = tpu.iota {dimensions = array<i32: 0>} : vector<7x64xi32>
    %eq3A = vector.broadcast %arg0 : i32 to vector<7x64xi32>
    %eq3A_10 = arith.cmpi eq, %iota3A, %eq3A : vector<7x64xi32>
    %get3A_11 = arith.constant 0 : index
    %get3A_12 = arith.constant 0 : index
    %get3A_13 = vector.load %arg3[%get3A_11, %get3A_12] : memref<7x64xf32, #tpu.memory_space<vmem>>, vector<7x64xf32>
    %jit3A = arith.constant 0.000000e+00 : f32
    %broadcast_in_dim3A_14 = vector.broadcast %jit3A : f32 to vector<7x64xf32>
    %select_n3A = arith.select %eq3A_10, %get3A_13, %broadcast_in_dim3A_14 : vector<7x64xi1>, vector<7x64xf32>
    %reduce_sum3A = arith.constant dense<0.000000e+00> : vector<64xf32>
    %reduce_sum3A_15 = vector.multi_reduction <add>, %select_n3A, %reduce_sum3A [0] : vector<7x64xf32> to vector<64xf32>
    %broadcast_in_dim3A_16 = vector.shape_cast %reshape3A : vector<96x64xf32> to vector<96x1x64xf32>
    %get3A_17 = arith.constant 0 : index
    %get3A_18 = arith.constant 0 : index
    %get3A_19 = vector.load %arg4[%get3A_17, %get3A_18] : memref<96x64xf32, #tpu.memory_space<vmem>>, vector<96x64xf32>
    %broadcast_in_dim3A_20 = vector.shape_cast %get3A_19 : vector<96x64xf32> to vector<1x96x64xf32>
    %add3A_21 = vector.broadcast %broadcast_in_dim3A_16 : vector<96x1x64xf32> to vector<96x96x64xf32>
    %add3A_22 = vector.broadcast %broadcast_in_dim3A_20 : vector<1x96x64xf32> to vector<96x96x64xf32>
    %add3A_23 = arith.addf %add3A_21, %add3A_22 : vector<96x96x64xf32>
    %broadcast_in_dim3A_24 = vector.shape_cast %reduce_sum3A_15 : vector<64xf32> to vector<1x1x64xf32>
    %add3A_25 = vector.broadcast %broadcast_in_dim3A_24 : vector<1x1x64xf32> to vector<96x96x64xf32>
    %add3A_26 = arith.addf %add3A_23, %add3A_25 : vector<96x96x64xf32>
    %swap3A = arith.constant 0 : index
    %swap3A_27 = arith.constant 0 : index
    %swap3A_28 = arith.constant 0 : index
    %swap3A_29 = arith.constant 0 : index
    %swap3A_30 = vector.load %arg5[%swap3A, %swap3A_27, %swap3A_28, %swap3A_29] : memref<1x96x96x64xf32, #tpu.memory_space<vmem>>, vector<1x96x96x64xf32>
    %swap3A_31 = vector.shape_cast %swap3A_30 : vector<1x96x96x64xf32> to vector<96x96x64xf32>
    %swap3A_32 = vector.shape_cast %add3A_26 : vector<96x96x64xf32> to vector<1x96x96x64xf32>
    tpu.vector_store %arg5[%swap3A, %swap3A_27, %swap3A_28, %swap3A_29], %swap3A_32 {strides = array<i32>} : memref<1x96x96x64xf32, #tpu.memory_space<vmem>>, vector<1x96x96x64xf32>,
    return
  }
  func.func @transform_0(%arg0: i32) -> (i32, i32) {
    %c0_i32 = arith.constant 0 : i32
    %c0_i32_0 = arith.constant 0 : i32
    %c0_i32_1 = arith.constant 0 : i32
    return %c0_i32, %c0_i32_0 : i32, i32
  }
  func.func @transform_1(%arg0: i32) -> (i32, i32) {
    %c0_i32 = arith.constant 0 : i32
    %c0_i32_0 = arith.constant 0 : i32
    %c0_i32_1 = arith.constant 0 : i32
    return %c0_i32, %c0_i32_0 : i32, i32
  }
  func.func @transform_2(%arg0: i32) -> (i32, i32) {
    %c0_i32 = arith.constant 0 : i32
    %c0_i32_0 = arith.constant 0 : i32
    %c0_i32_1 = arith.constant 0 : i32
    return %c0_i32, %c0_i32_0 : i32, i32
  }
  func.func @transform_3(%arg0: i32) -> (i32, i32) {
    %c0_i32 = arith.constant 0 : i32
    %c0_i32_0 = arith.constant 0 : i32
    %c0_i32_1 = arith.constant 0 : i32
    return %c0_i32, %c0_i32_0 : i32, i32
  }
  func.func @transform_4(%arg0: i32) -> (i32, i32, i32, i32) {
    %c0_i32 = arith.constant 0 : i32
    %c0_i32_0 = arith.constant 0 : i32
    %c0_i32_1 = arith.constant 0 : i32
    %c0_i32_2 = arith.constant 0 : i32
    return %arg0, %c0_i32, %c0_i32_0, %c0_i32_1 : i32, i32, i32, i32
  }
}

module attributes {stable_mosaic.version = 14 : i64} {
  func.func @_cidx_body(%arg0: i32, %arg1: memref<512x200xi32, #tpu.memory_space<vmem>>, %arg2: memref<512x200xi32, #tpu.memory_space<vmem>>, %arg3: memref<512x200xi32, #tpu.memory_space<vmem>>, %arg4: memref<512x200xi32, #tpu.memory_space<vmem>>) attributes {dimension_semantics = [#tpu.dimension_semantics<arbitrary>], iteration_bounds = array<i64: 8>, scalar_prefetch = 0 : i64, scratch_operands = 0 : i64, tpu.core_type = #tpu.core_type<tc>, window_params = [{transform_indices = @transform_0, window_bounds = array<i64: 512, 200>}, {transform_indices = @transform_1, window_bounds = array<i64: 512, 200>}, {transform_indices = @transform_2, window_bounds = array<i64: 512, 200>}, {transform_indices = @transform_3, window_bounds = array<i64: 512, 200>}]} {
    %get3A = arith.constant 0 : index
    %get3A_0 = arith.constant 0 : index
    %get3A_1 = vector.load %arg2[%get3A, %get3A_0] : memref<512x200xi32, #tpu.memory_space<vmem>>, vector<512x200xi32>
    %mul3A = arith.constant 96 : i32
    %mul3A_2 = vector.broadcast %mul3A : i32 to vector<512x200xi32>
    %mul3A_3 = arith.muli %get3A_1, %mul3A_2 : vector<512x200xi32>
    %get3A_4 = arith.constant 0 : index
    %get3A_5 = arith.constant 0 : index
    %get3A_6 = vector.load %arg1[%get3A_4, %get3A_5] : memref<512x200xi32, #tpu.memory_space<vmem>>, vector<512x200xi32>
    %add3A = arith.addi %mul3A_3, %get3A_6 : vector<512x200xi32>
    %mul3A_7 = arith.constant 96 : i32
    %mul3A_8 = vector.broadcast %mul3A_7 : i32 to vector<512x200xi32>
    %mul3A_9 = arith.muli %add3A, %mul3A_8 : vector<512x200xi32>
    %get3A_10 = arith.constant 0 : index
    %get3A_11 = arith.constant 0 : index
    %get3A_12 = vector.load %arg3[%get3A_10, %get3A_11] : memref<512x200xi32, #tpu.memory_space<vmem>>, vector<512x200xi32>
    %add3A_13 = arith.addi %mul3A_9, %get3A_12 : vector<512x200xi32>
    %swap3A = arith.constant 0 : index
    %swap3A_14 = arith.constant 0 : index
    %swap3A_15 = vector.load %arg4[%swap3A, %swap3A_14] : memref<512x200xi32, #tpu.memory_space<vmem>>, vector<512x200xi32>
    tpu.vector_store %arg4[%swap3A, %swap3A_14], %add3A_13 {strides = array<i32>} : memref<512x200xi32, #tpu.memory_space<vmem>>, vector<512x200xi32>,
    return
  }
  func.func @transform_0(%arg0: i32) -> (i32, i32) {
    %c0_i32 = arith.constant 0 : i32
    %c0_i32_0 = arith.constant 0 : i32
    return %arg0, %c0_i32 : i32, i32
  }
  func.func @transform_1(%arg0: i32) -> (i32, i32) {
    %c0_i32 = arith.constant 0 : i32
    %c0_i32_0 = arith.constant 0 : i32
    return %arg0, %c0_i32 : i32, i32
  }
  func.func @transform_2(%arg0: i32) -> (i32, i32) {
    %c0_i32 = arith.constant 0 : i32
    %c0_i32_0 = arith.constant 0 : i32
    return %arg0, %c0_i32 : i32, i32
  }
  func.func @transform_3(%arg0: i32) -> (i32, i32) {
    %c0_i32 = arith.constant 0 : i32
    %c0_i32_0 = arith.constant 0 : i32
    return %arg0, %c0_i32 : i32, i32
  }
}

</mosaic_0001>

<sc_bundles>
// kernel: kernel.5.cloned.1.call-start
scs
__scs_entry_jumppad:
0x0: {  	(pc) =	sbr.rel $0x88, $3  }
0x1: {  	(tag) =	ssettag $0x0;
	lr =	simm.s32 $0x1  }
0x2: {  	[smem:$0x3F98] =	sst lr;
	_ =	strace $0xD0000000  }
0x3: {  	_ = 	snop  }
0x4: {  	_ = 	snop  }
0x5: {  	_ = 	snop  }
0x6: {  	_ = 	snop  }
0x7: {  	_ = 	snop  }
__scs_overlays_trampoline_lowered:
0x8: {  	[smem:$0x3FA7] =	sst s0  }
0x9: {  	[smem:$0x3FA8] =	sst s1  }
0xa: {  	[smem:$0x3FA9] =	sst s2  }
0xb: {  	[smem:$0x3FAA] =	sst s3  }
0xc: {  	[smem:$0x3FAB] =	sst s4  }
0xd: {  	[smem:$0x3FAC] =	sst s5  }
0xe: {  	[smem:$0x3FAD] =	sst s6  }
0xf: {  	[smem:$0x3FAE] =	sst s7  }
0x10: {  	[smem:$0x3FAF] =	sst s8  }
0x11: {  	[smem:$0x3FB0] =	sst s9;
	s0 =	simm.s32 @!p0 $0x0  }
0x12: {  	s1 =	sld [smem:$0x3F96];
	s0 =	simm.s32 @p0 $0x1  }
0x13: {  	[smem:$0x3FB1] =	sst s0;
	s0 =	simm.s32 @!p1 $0x0  }
0x14: {  	s2 =	sld [smem:$0x3F95];
	s0 =	simm.s32 @p1 $0x1  }
0x15: {  	[smem:$0x3FB2] =	sst s0;
	s0 =	simm.s32 @!p2 $0x0  }
0x16: {  	s3 =	sld [smem:$0x3FDB];
	s0 =	simm.s32 @p2 $0x1  }
0x17: {  	s4 =	simm.s32 $0x1BF5;
	[smem:$0x3FB4] =	sst s0  }
0x18: {  	s0 =	sld [smem:$0x3F97];
	_ =	swait.ge [sflag:s4], $0x0  }
0x19: {  	s7 =	sld [smem:$0x3F98]  }
0x1a: {  	s8 =	sadd.s32 $0xFFFFE003, lr  }
0x1b: {  	s9 =	sadd.s32 $0xFFFFFEF7, lr;
	s5 =	simm.s32 $0xFFFFFFFF;
	p2 =	slt.u32 s8, $0xFFFFF086  }
0x1c: {  	p1 =	slt.u32 s9, $0xF7A;
	s5 =	simm.s32 @!p2 $0x0  }
0x1d: {  	s5 =	simm.s32 @p1 $0x1;
	p0 =	seq.s32 s7, s2  }
0x1e: {  	s7 =	smul.u32 @!p0 $0xF7A, s2;
	p2 =	seq.s32 @!p0 s5, $0x0  }
0x1f: {  	s9 =	smul.u32 $0xF7A, s1;
	s8 =	simm.s32 @!p0 $0x1BF5;
	p2 =	por !p2, p0  }
0x20: {  	[sflag:s8] =	ssyncset.s32 @!p0 $0xFFFFF086;
	s6 =	sadd.s32 @!p0 s3, s7;
	s7 =	simm.s32 @!p0 $0x108  }
0x21: {  	s3 =	sadd.s32 s3, s9;
	s6 =	sadd.s32 @!p0 $0x88, s6;
	s7 =	simm.s32 @p2 $0x1082  }
0x22: {  	[simem:s7], [sflag:s8] =	dma.local @!p0 [hbm:s6], $0xF7A  }
0x23: {  	s9 =	sor.u32 $0xD0000000, s2;
	s6 =	simm.s32 $0x108;
	_ =	swait.ge @!p0 [sflag:s8], $0x0  }
0x24: {  	s3 =	sadd.s32 $0x88, s3;
	s6 =	simm.s32 @!p1 $0x1082;
	[sflag:s4] =	ssyncset.s32 $0xFFFFF086  }
0x25: {  	[simem:s6], [sflag:s4] =	dma.local [hbm:s3], $0xF7A  }
0x26: {  	[smem:$0x3F98] =	sst s1;
	(tag) =	ssettag s2;
	_ =	strace s9  }
0x27: {  	s1 =	sld [smem:$0x3FA8]  }
0x28: {  	s2 =	sld [smem:$0x3FA9]  }
0x29: {  	s4 =	sld [smem:$0x3FAB]  }
0x2a: {  	p0 =	seq.s32 s5, $0x0;
	s5 =	sld [smem:$0x3FAC]  }
0x2b: {  	s6 =	sld [smem:$0x3FAD]  }
0x2c: {  	s7 =	sld [smem:$0x3FAE]  }
0x2d: {  	s3 =	simm.s32 $0x108;
	s8 =	sld [smem:$0x3FAF]  }
0x2e: {  	s3 =	simm.s32 @!p0 $0x1082;
	s9 =	sld [smem:$0x3FB0]  }
0x2f: {  	lr =	sadd.s32 s0, s3;
	s0 =	sld [smem:$0x3FA7]  }
0x30: {  	s3 =	sld [smem:$0x3FAA]  }
0x31: {  	[smem:$0x3FB3] =	sst s10  }
0x32: {  	s10 =	sld [smem:$0x3FB1];
	_ =	sdelay $0x3  }
0x33: {  	p0 =	seq.s32 s10, $0x1;
	s10 =	sld [smem:$0x3FB3];
	_ =	sdelay $0x3  }
0x34: {  	[smem:$0x3FB3] =	sst s10  }
0x35: {  	s10 =	sld [smem:$0x3FB2];
	_ =	sdelay $0x3  }
0x36: {  	p1 =	seq.s32 s10, $0x1;
	s10 =	sld [smem:$0x3FB3];
	_ =	sdelay $0x3  }
0x37: {  	[smem:$0x3FB3] =	sst s10  }
0x38: {  	s10 =	sld [smem:$0x3FB4]  }
0x39: {  	_ = 	snop;
	(pc) =	sbr.ind lr, $3  }
0x3a: {  	_ = 	snop  }
0x3b: {  	_ = 	snop  }
0x3c: {  	p2 =	seq.s32 s10, $0x1;
	s10 =	sld [smem:$0x3FB3]  }
0x3d: {  	_ =	shalt  }
0x3e: {  	_ =	shalt  }
0x3f: {  	_ =	shalt  }
0x40: {  	_ =	shalt  }
0x41: {  	_ =	shalt  }
0x42: {  	_ =	shalt  }
0x43: {  	_ =	shalt  }
0x44: {  	_ =	shalt  }
0x45: {  	_ =	shalt  }
0x46: {  	_ =	shalt  }
0x47: {  	_ =	shalt  }
0x48: {  	_ =	shalt  }
0x49: {  	_ =	shalt  }
0x4a: {  	_ =	shalt  }
0x4b: {  	_ =	shalt  }
0x4c: {  	_ =	shalt  }
0x4d: {  	_ =	shalt  }
0x4e: {  	_ =	shalt  }
0x4f: {  	_ =	shalt  }
0x50: {  	_ =	shalt  }
0x51: {  	_ =	shalt  }
0x52: {  	_ =	shalt  }
0x53: {  	_ =	shalt  }
0x54: {  	_ =	shalt  }
0x55: {  	_ =	shalt  }
0x56: {  	_ =	shalt  }
0x57: {  	_ =	shalt  }
0x58: {  	_ =	shalt  }
0x59: {  	_ =	shalt  }
0x5a: {  	_ =	shalt  }
0x5b: {  	_ =	shalt  }
0x5c: {  	_ =	shalt  }
0x5d: {  	_ =	shalt  }
0x5e: {  	_ =	shalt  }
0x5f: {  	_ =	shalt  }
0x60: {  	_ =	shalt  }
0x61: {  	_ =	shalt  }
0x62: {  	_ =	shalt  }
0x63: {  	_ =	shalt  }
0x64: {  	_ =	shalt  }
0x65: {  	_ =	shalt  }
0x66: {  	_ =	shalt  }
0x67: {  	_ =	shalt  }
0x68: {  	_ =	shalt  }
0x69: {  	_ =	shalt  }
0x6a: {  	_ =	shalt  }
0x6b: {  	_ =	shalt  }
0x6c: {  	_ =	shalt  }
0x6d: {  	_ =	shalt  }
0x6e: {  	_ =	shalt  }
0x6f: {  	_ =	shalt  }
0x70: {  	_ =	shalt  }
0x71: {  	_ =	shalt  }
0x72: {  	_ =	shalt  }
0x73: {  	_ =	shalt  }
0x74: {  	_ =	shalt  }
0x75: {  	_ =	shalt  }
0x76: {  	_ =	shalt  }
0x77: {  	_ =	shalt  }
0x78: {  	_ =	shalt  }
0x79: {  	_ =	shalt  }
0x7a: {  	_ =	shalt  }
0x7b: {  	_ =	shalt  }
0x7c: {  	_ =	shalt  }
0x7d: {  	_ =	shalt  }
0x7e: {  	_ =	shalt  }
0x7f: {  	_ =	shalt  }
0x80: {  	_ =	shalt  }
0x81: {  	_ =	shalt  }
0x82: {  	_ =	shalt  }
0x83: {  	_ =	shalt  }
0x84: {  	_ =	shalt  }
0x85: {  	_ =	shalt  }
0x86: {  	_ =	shalt  }
0x87: {  	_ =	shalt  }
.Lfunc_end0:
.L_simem_size_0:
called_computation.1_lowered:
.L_overlay_start_0:
0x88: {  	s2 =	sld [smem:$0x3FD9]  }
0x89: {  	s3 =	sld [smem:$0x3FFE];
	_ =	sdelay $0x1  }
0x8a: {  	s1 =	srdreg.scid  }
0x8b: {  	s0 =	sand.u32 $0x1, s1  }
0x8c: {  	s17 =	sshll.u32 s0, $0xA;
	s2 =	sadd.s32 s3, s2  }
0x8d: {  	s2 =	sadd.s32 s2, s17  }
0x8e: {  	[smem:$0x3FBF] =	sst s2  }
0x8f: {  	_ = 	snop  }
0x90: {  	s2 =	sld [smem:$0x3FD0];
	(tm) =	ssettm $0x1  }
0x91: {  	s18 =	sld [smem:$0x3FFB];
	_ =	sdelay $0x3  }
0x92: {  	_ =	strace s18  }
0x93: {  	s3 =	sld [smem:$0x3FFC];
	_ =	sdelay $0x3  }
0x94: {  	_ =	strace s3  }
0x95: {  	s3 =	sld [smem:$0x3FFD];
	_ =	sdelay $0x3  }
0x96: {  	_ =	strace s3  }
0x97: {  	_ =	strace $0x8FFFFFFF  }
0x98: {  	s19 =	sld [smem:$0x3FDB];
	_ =	sdelay $0x1  }
0x99: {  	s4 =	simm.s32 $_scs_section_size  }
0x9a: {  	s5 =	simm.s32 $_size__tile_overlayer_lowered;
	s6 =	simm.s32 $_tile_overlayer_lowered  }
0x9b: {  	s22 =	simm.s32 $0x1BFF;
	s21 =	sshll.u32 s6, $0x1;
	s3 =	sadd.s32 s4, s19  }
0x9c: {  	s7 =	simm.s32 $0x0;
	s20 =	sshll.u32 s5, $0x1;
	s5 =	sadd.s32 s21, s3  }
0x9d: {  	[timem:s7], [sflag:s22] =	dma.local [hbm:s5], s20  }
0x9e: {  	_ =	swait.ge [sflag:s22], s20  }
0x9f: {  	s4 =	ssub.s32 $0x0, s20;
	[sflag:s22] =	ssyncset.done $0x0  }
0xa0: {  	[sflag:s22] =	ssyncadd.s32 s4;
	_ =	sdelay $0x1  }
0xa1: {  	s23 =	simm.s32 $0x1B8B  }
0xa2: {  	_ =	swait.ge [sflag:s23], $0x1  }
0xa3: {  	[sflag:s23] =	ssyncset.done $0x0  }
0xa4: {  	s25 =	simm.s32 $0x1B8E;
	s24 =	sld [smem:$0x3FFE];
	[sflag:s23] =	ssyncadd.s32 $0xFFFFFFFF  }
0xa5: {  	s26 =	simm.s32 $execute0_lowered;
	[smem:$0x3FD2] =	sst s25  }
0xa6: {  	s5 =	sshll.u32 s26, $0x1;
	_ =	strace $0x80000046;
	[dreg:$0x1] =	wrdreg $0xFFFFFFFF  }
0xa7: {  	s28 =	simm.s32 $_size_execute0_lowered;
	s3 =	sadd.s32 s3, s5;
	[dreg:$0x0] =	wrdreg $0x0  }
0xa8: {  	s5 =	sshll.u32 s28, $0x1;
	[dreg:$0x2] =	wrdreg s3  }
0xa9: {  	[dreg:$0x3] =	wrdreg s5  }
0xaa: {  	[dreg:$0x4] =	wrdreg $0xC0  }
0xab: {  	_ =	task [dreg:s7], $0x5FFFF  }
0xac: {  	[dreg:$0x1] =	wrdreg $0xFFFFFFFF  }
0xad: {  	[dreg:$0x0] =	wrdreg $0x60  }
0xae: {  	[dreg:$0x2] =	wrdreg s24  }
0xaf: {  	[dreg:$0x3] =	wrdreg s2  }
0xb0: {  	[dreg:$0x4] =	wrdreg $0x9  }
0xb1: {  	_ =	task.clear_ibuf [dreg:s7], $0x5FFFF;
	_ =	strace $0x90000046  }
0xb2: {  	s29 =	simm.s32 $0x9;
	_ =	strace $0x80000048  }
0xb3: {  	_ =	swait.ge [sflag:s29], $0x1  }
0xb4: {  	[sflag:s29] =	ssyncadd.s32 $0xFFFFFFFF  }
0xb5: {  	_ =	strace $0x90000048  }
0xb6: {  	_ =	sfence  }
0xb7: {  	s30 =	sld [smem:$0x0];
	_ =	sdelay $0x2  }
0xb8: {  	s31 =	sshll.u32 s1, $0xD;
	s1 =	sshrl.u32 s1, $0x2  }
0xb9: {  	s3 =	sand.u32 $0x4000, s31;
	s1 =	sadd.s32 s1, s30  }
0xba: {  	s0 =	sor.u32 s3, s0;
	s1 =	sshll.u32 s1, $0x11  }
0xbb: {  	s0 =	sor.u32 s1, s0  }
0xbc: {  	s0 =	sadd.s32 $0x8F2B, s0  }
0xbd: {  	[sflag:s0] =	ssyncadd.remote.s32 $0x1  }
0xbe: {  	_ =	sfence.sel $0xFFFF  }
0xbf: {  	[dreg:$0x0] =	wrdreg $0xFFFFFFFF;
	(pc) =	sbr.abs _section_cstart, $3  }
0xc0: {  	[dreg:$0x1] =	wrdreg $0xFFFFFFFF  }
0xc1: {  	_ =	task.clear_ibuf [dreg:s7], $0x2FFFF;
	_ =	strace $0x9FFFFFFF  }
0xc2: {  	(tm) =	ssettm $0x7FFFFFFF  }
0xc3: {  	_ =	shalt  }
tec
execute0_lowered:
.L_overlay_start_1:
0x0: {  	(tag) =	ssettag $0x1  }
0x1: {  	s0 =	srdreg.scid;
	s4 =	rddreg [dreg:$0x0]  }
0x2: {  	s8 =	stileid.u32;
	s5 =	rddreg [dreg:$0x1]  }
0x3: {  	s2 =	simm.s32 $0x0;
	s9 =	simm.s32 $0x80;
	s10 =	simm.s32 $0x800  }
0x4: {  	s25 =	simm.s32 $0x100;
	s11 =	simm.s32 $0x2800;
	s26 =	simm.s32 $0x180  }
0x5: {  	s12 =	simm.s32 $0x4800;
	s31 =	simm.s32 $0x200;
	s13 =	simm.s32 $0x6800  }
0x6: {  	s14 =	simm.s32 $0x8800;
	s15 =	simm.s32 $0x280;
	s16 =	simm.s32 $0xA800  }
0x7: {  	s17 =	simm.s32 $0x300;
	s18 =	simm.s32 $0xC800;
	s19 =	simm.s32 $0x380  }
0x8: {  	s20 =	simm.s32 $0xE800;
	s21 =	simm.s32 $0x1;
	s22 =	simm.s32 $0x480  }
0x9: {  	s28 =	simm.s32 $0x700;
	s29 =	simm.s32 $0x780;
	s30 =	simm.s32 $0x0  }
0xa: {  	s0 =	sand.u32 $0x1, s0;
	s1 =	smul.u32 $0xC800, s8;
	[smem:$0x7FF] =	sst s2  }
0xb: {  	s8 =	smul.u32 $0x64000, s8;
	_ =	strace $0x80000047;
	[dreg:$0x5] =	wrdreg s25  }
0xc: {  	s3 =	smul.u32 $0x6400, s0;
	s6 =	ssub.s32 $0x2, s0;
	[dreg:$0x6] =	wrdreg s26  }
0xd: {  	s0 =	smul.u32 $0x32000, s0;
	[dreg:$0x7] =	wrdreg s31;
	s25 =	simm.s32 $0x600  }
0xe: {  	s26 =	simm.s32 $0x680;
	s7 =	sshrl.u32 s6, $0x1;
	s5 =	sadd.s32 s8, s5  }
0xf: {  	s8 =	simm.s32 $0x400;
	s1 =	sadd.s32 s3, s1;
	s3 =	sadd.s32 $0x1800, s4  }
0x10: {  	s6 =	ssub.s32 s6, s7;
	s0 =	sadd.s32 s0, s5;
	s1 =	sshrl.u32 s1, $0x3  }
0x11: {  	s6 =	smax.u32 s6, $0x1;
	[dreg:$0x9] =	wrdreg s0;
	s1 =	sadd.s32 s1, s4  }
0x12: {  	s7 =	simm.s32 $0x2;
	[dreg:$0x8] =	wrdreg s6;
	s23 =	sadd.s32 $0x7F800, s1  }
0x13: {  	s4 =	sadd.s32 $0xF43C00, s4;
	s24 =	sadd.s32 $0x98800, s1;
	[dreg:$0x3] =	wrdreg s23  }
0x14: {  	[dreg:$0x4] =	wrdreg s24;
	s23 =	simm.s32 $0x500;
	s24 =	simm.s32 $0x580  }
.LBB2_1:
0x15: {  	s0 =	rddreg [dreg:$0x4]  }
0x16: {  	s0 =	sadd.s32 $0x0, s0  }
0x17: {  	[tilespmem:s2], [sflag:$0x2] =	stream.linear.gather [hbm4b:s0+s2], $0x400, $0x38;
	[tilespmem:$0x10800] =	vst v63  }
0x18: {  	_ =	swait.ge [sflag:s7], $0x400  }
0x19: {  	s1 =	rddreg [dreg:$0x3];
	[sflag:s7] =	ssyncset.done $0x0  }
0x1a: {  	[sflag:s7] =	ssyncadd.s32 $0xFFFFFC00;
	s0 =	sadd.s32 $0x0, s1  }
0x1b: {  	[tilespmem:s8], [sflag:$0x2] =	stream.linear.gather [hbm4b:s0+s2], $0x400, $0x38;
	[tilespmem:$0x10800] =	vst v63  }
0x1c: {  	_ =	swait.ge [sflag:s7], $0x400  }
0x1d: {  	[sflag:s7] =	ssyncset.done $0x0  }
0x1e: {  	[sflag:s7] =	ssyncadd.s32 $0xFFFFFC00  }
0x1f: {  	[tilespmem:s10], [sflag:$0x1] =	stream.indirect.gather [hbm4b:s4+s9], $0x40, s2, s9, $0xb8;
	[tilespmem:$0x10800] =	vst v63  }
0x20: {  	_ = 	snop  }
0x21: {  	[tilespmem:s11], [sflag:$0x1] =	stream.indirect.gather [hbm4b:s4+s9], $0x40, s9, s9, $0xb8;
	[tilespmem:$0x10800] =	vst v63  }
0x22: {  	s5 =	rddreg [dreg:$0x5]  }
0x23: {  	[tilespmem:s12], [sflag:$0x1] =	stream.indirect.gather [hbm4b:s4+s9], $0x40, s5, s9, $0xb8;
	[tilespmem:$0x10800] =	vst v63  }
0x24: {  	s1 =	rddreg [dreg:$0x6]  }
0x25: {  	[tilespmem:s13], [sflag:$0x1] =	stream.indirect.gather [hbm4b:s4+s9], $0x40, s1, s9, $0xb8;
	[tilespmem:$0x10800] =	vst v63  }
0x26: {  	s6 =	rddreg [dreg:$0x7]  }
0x27: {  	[tilespmem:s14], [sflag:$0x1] =	stream.indirect.gather [hbm4b:s4+s9], $0x40, s6, s9, $0xb8;
	[tilespmem:$0x10800] =	vst v63  }
0x28: {  	_ = 	snop  }
0x29: {  	[tilespmem:s16], [sflag:$0x1] =	stream.indirect.gather [hbm4b:s4+s9], $0x40, s15, s9, $0xb8;
	[tilespmem:$0x10800] =	vst v63  }
0x2a: {  	_ = 	snop  }
0x2b: {  	[tilespmem:s18], [sflag:$0x1] =	stream.indirect.gather [hbm4b:s4+s9], $0x40, s17, s9, $0xb8;
	[tilespmem:$0x10800] =	vst v63  }
0x2c: {  	_ = 	snop  }
0x2d: {  	[tilespmem:s20], [sflag:$0x1] =	stream.indirect.gather [hbm4b:s4+s9], $0x40, s19, s9, $0xb8;
	[tilespmem:$0x10800] =	vst v63  }
0x2e: {  	_ =	swait.ge [sflag:s21], $0x2000  }
0x2f: {  	[sflag:s21] =	ssyncset.done $0x0  }
0x30: {  	[sflag:s21] =	ssyncadd.s32 $0xFFFFE000  }
0x31: {  	_ =	swait.ge [sflag:s21], $0x2000  }
0x32: {  	[sflag:s21] =	ssyncset.done $0x0  }
0x33: {  	[sflag:s21] =	ssyncadd.s32 $0xFFFFE000  }
0x34: {  	_ =	swait.ge [sflag:s21], $0x2000  }
0x35: {  	[sflag:s21] =	ssyncset.done $0x0  }
0x36: {  	[sflag:s21] =	ssyncadd.s32 $0xFFFFE000  }
0x37: {  	_ =	swait.ge [sflag:s21], $0x2000  }
0x38: {  	[sflag:s21] =	ssyncset.done $0x0  }
0x39: {  	[sflag:s21] =	ssyncadd.s32 $0xFFFFE000  }
0x3a: {  	_ =	swait.ge [sflag:s21], $0x2000  }
0x3b: {  	[sflag:s21] =	ssyncset.done $0x0  }
0x3c: {  	[sflag:s21] =	ssyncadd.s32 $0xFFFFE000  }
0x3d: {  	_ =	swait.ge [sflag:s21], $0x2000  }
0x3e: {  	[sflag:s21] =	ssyncset.done $0x0  }
0x3f: {  	[sflag:s21] =	ssyncadd.s32 $0xFFFFE000  }
0x40: {  	_ =	swait.ge [sflag:s21], $0x2000  }
0x41: {  	[sflag:s21] =	ssyncset.done $0x0  }
0x42: {  	[sflag:s21] =	ssyncadd.s32 $0xFFFFE000  }
0x43: {  	_ =	swait.ge [sflag:s21], $0x2000  }
0x44: {  	[sflag:s21] =	ssyncset.done $0x0  }
0x45: {  	[sflag:s21] =	ssyncadd.s32 $0xFFFFE000  }
0x46: {  	[tilespmem:s10], [sflag:$0x1] =	stream.indirect.gather.add.f32 [hbm:s3], $0x40, s8, s9, $0xb8;
	[tilespmem:$0x10800] =	vst v63  }
0x47: {  	_ = 	snop  }
0x48: {  	[tilespmem:s11], [sflag:$0x1] =	stream.indirect.gather.add.f32 [hbm:s3], $0x40, s22, s9, $0xb8;
	[tilespmem:$0x10800] =	vst v63  }
0x49: {  	_ = 	snop  }
0x4a: {  	[tilespmem:s12], [sflag:$0x1] =	stream.indirect.gather.add.f32 [hbm:s3], $0x40, s23, s9, $0xb8;
	[tilespmem:$0x10800] =	vst v63  }
0x4b: {  	_ = 	snop  }
0x4c: {  	[tilespmem:s13], [sflag:$0x1] =	stream.indirect.gather.add.f32 [hbm:s3], $0x40, s24, s9, $0xb8;
	[tilespmem:$0x10800] =	vst v63  }
0x4d: {  	_ = 	snop  }
0x4e: {  	[tilespmem:s14], [sflag:$0x1] =	stream.indirect.gather.add.f32 [hbm:s3], $0x40, s25, s9, $0xb8;
	[tilespmem:$0x10800] =	vst v63  }
0x4f: {  	_ = 	snop  }
0x50: {  	[tilespmem:s16], [sflag:$0x1] =	stream.indirect.gather.add.f32 [hbm:s3], $0x40, s26, s9, $0xb8;
	[tilespmem:$0x10800] =	vst v63  }
0x51: {  	_ = 	snop  }
0x52: {  	[tilespmem:s18], [sflag:$0x1] =	stream.indirect.gather.add.f32 [hbm:s3], $0x40, s28, s9, $0xb8;
	[tilespmem:$0x10800] =	vst v63  }
0x53: {  	_ = 	snop  }
0x54: {  	[tilespmem:s20], [sflag:$0x1] =	stream.indirect.gather.add.f32 [hbm:s3], $0x40, s29, s9, $0xb8;
	[tilespmem:$0x10800] =	vst v63  }
0x55: {  	_ =	swait.ge [sflag:s21], $0x2000  }
0x56: {  	[sflag:s21] =	ssyncset.done $0x0  }
0x57: {  	[sflag:s21] =	ssyncadd.s32 $0xFFFFE000  }
0x58: {  	_ =	swait.ge [sflag:s21], $0x2000  }
0x59: {  	[sflag:s21] =	ssyncset.done $0x0  }
0x5a: {  	[sflag:s21] =	ssyncadd.s32 $0xFFFFE000  }
0x5b: {  	_ =	swait.ge [sflag:s21], $0x2000  }
0x5c: {  	[sflag:s21] =	ssyncset.done $0x0  }
0x5d: {  	[sflag:s21] =	ssyncadd.s32 $0xFFFFE000  }
0x5e: {  	_ =	swait.ge [sflag:s21], $0x2000  }
0x5f: {  	[sflag:s21] =	ssyncset.done $0x0  }
0x60: {  	[sflag:s21] =	ssyncadd.s32 $0xFFFFE000  }
0x61: {  	_ =	swait.ge [sflag:s21], $0x2000  }
0x62: {  	[sflag:s21] =	ssyncset.done $0x0  }
0x63: {  	[sflag:s21] =	ssyncadd.s32 $0xFFFFE000  }
0x64: {  	_ =	swait.ge [sflag:s21], $0x2000  }
0x65: {  	[sflag:s21] =	ssyncset.done $0x0  }
0x66: {  	[sflag:s21] =	ssyncadd.s32 $0xFFFFE000  }
0x67: {  	_ =	swait.ge [sflag:s21], $0x2000  }
0x68: {  	[sflag:s21] =	ssyncset.done $0x0  }
0x69: {  	[sflag:s21] =	ssyncadd.s32 $0xFFFFE000  }
0x6a: {  	_ =	swait.ge [sflag:s21], $0x2000  }
0x6b: {  	[sflag:s21] =	ssyncset.done $0x0  }
0x6c: {  	s31 =	rddreg [dreg:$0x9];
	[sflag:s21] =	ssyncadd.s32 $0xFFFFE000  }
0x6d: {  	[hbm4b:s31+s2] =	stream.linear.scatter [tilespmem:s10], [sflag:$0x2], $0x10000, $0x38;
	[tilespmem:$0x10800] =	vst v63  }
0x6e: {  	s0 =	simm.s32 $0x100;
	_ =	swait.ge [sflag:s7], $0x10000  }
0x6f: {  	s1 =	simm.s32 $0x80;
	s5 =	rddreg [dreg:$0x4];
	[sflag:s7] =	ssyncset.done $0x0  }
.LBB2_2:
0x70: {  	[sflag:s7] =	ssyncadd.s32 $0xFFFF0000;
	s5 =	sadd.s32 s1, s5  }
0x71: {  	[tilespmem:s2], [sflag:$0x2] =	stream.linear.gather [hbm4b:s5+s2], $0x400, $0x38;
	[tilespmem:$0x10800] =	vst v63  }
0x72: {  	_ =	swait.ge [sflag:s7], $0x400  }
0x73: {  	s5 =	rddreg [dreg:$0x3];
	[sflag:s7] =	ssyncset.done $0x0  }
0x74: {  	[sflag:s7] =	ssyncadd.s32 $0xFFFFFC00;
	s5 =	sadd.s32 s1, s5  }
0x75: {  	[tilespmem:s8], [sflag:$0x2] =	stream.linear.gather [hbm4b:s5+s2], $0x400, $0x38;
	[tilespmem:$0x10800] =	vst v63  }
0x76: {  	_ =	swait.ge [sflag:s7], $0x400  }
0x77: {  	[sflag:s7] =	ssyncset.done $0x0  }
0x78: {  	[sflag:s7] =	ssyncadd.s32 $0xFFFFFC00  }
0x79: {  	[tilespmem:s10], [sflag:$0x1] =	stream.indirect.gather [hbm4b:s4+s9], $0x40, s2, s9, $0xb8;
	[tilespmem:$0x10800] =	vst v63  }
0x7a: {  	_ = 	snop  }
0x7b: {  	[tilespmem:s11], [sflag:$0x1] =	stream.indirect.gather [hbm4b:s4+s9], $0x40, s9, s9, $0xb8;
	[tilespmem:$0x10800] =	vst v63  }
0x7c: {  	s6 =	smov.u32 s0;
	s5 =	rddreg [dreg:$0x5]  }
0x7d: {  	[tilespmem:s12], [sflag:$0x1] =	stream.indirect.gather [hbm4b:s4+s9], $0x40, s5, s9, $0xb8;
	[tilespmem:$0x10800] =	vst v63  }
0x7e: {  	s1 =	smov.u32 s6;
	s6 =	rddreg [dreg:$0x6]  }
0x7f: {  	[tilespmem:s13], [sflag:$0x1] =	stream.indirect.gather [hbm4b:s4+s9], $0x40, s6, s9, $0xb8;
	[tilespmem:$0x10800] =	vst v63  }
0x80: {  	s5 =	rddreg [dreg:$0x7]  }
0x81: {  	[tilespmem:s14], [sflag:$0x1] =	stream.indirect.gather [hbm4b:s4+s9], $0x40, s5, s9, $0xb8;
	[tilespmem:$0x10800] =	vst v63  }
0x82: {  	_ = 	snop  }
0x83: {  	[tilespmem:s16], [sflag:$0x1] =	stream.indirect.gather [hbm4b:s4+s9], $0x40, s15, s9, $0xb8;
	[tilespmem:$0x10800] =	vst v63  }
0x84: {  	_ = 	snop  }
0x85: {  	[tilespmem:s18], [sflag:$0x1] =	stream.indirect.gather [hbm4b:s4+s9], $0x40, s17, s9, $0xb8;
	[tilespmem:$0x10800] =	vst v63  }
0x86: {  	_ = 	snop  }
0x87: {  	[tilespmem:s20], [sflag:$0x1] =	stream.indirect.gather [hbm4b:s4+s9], $0x40, s19, s9, $0xb8;
	[tilespmem:$0x10800] =	vst v63  }
0x88: {  	_ =	swait.ge [sflag:s21], $0x2000  }
0x89: {  	[sflag:s21] =	ssyncset.done $0x0  }
0x8a: {  	[sflag:s21] =	ssyncadd.s32 $0xFFFFE000  }
0x8b: {  	_ =	swait.ge [sflag:s21], $0x2000  }
0x8c: {  	[sflag:s21] =	ssyncset.done $0x0  }
0x8d: {  	[sflag:s21] =	ssyncadd.s32 $0xFFFFE000  }
0x8e: {  	_ =	swait.ge [sflag:s21], $0x2000  }
0x8f: {  	[sflag:s21] =	ssyncset.done $0x0  }
0x90: {  	[sflag:s21] =	ssyncadd.s32 $0xFFFFE000  }
0x91: {  	_ =	swait.ge [sflag:s21], $0x2000  }
0x92: {  	[sflag:s21] =	ssyncset.done $0x0  }
0x93: {  	[sflag:s21] =	ssyncadd.s32 $0xFFFFE000  }
0x94: {  	_ =	swait.ge [sflag:s21], $0x2000  }
0x95: {  	[sflag:s21] =	ssyncset.done $0x0  }
0x96: {  	[sflag:s21] =	ssyncadd.s32 $0xFFFFE000  }
0x97: {  	_ =	swait.ge [sflag:s21], $0x2000  }
0x98: {  	[sflag:s21] =	ssyncset.done $0x0  }
0x99: {  	[sflag:s21] =	ssyncadd.s32 $0xFFFFE000  }
0x9a: {  	_ =	swait.ge [sflag:s21], $0x2000  }
0x9b: {  	[sflag:s21] =	ssyncset.done $0x0  }
0x9c: {  	[sflag:s21] =	ssyncadd.s32 $0xFFFFE000  }
0x9d: {  	_ =	swait.ge [sflag:s21], $0x2000  }
0x9e: {  	[sflag:s21] =	ssyncset.done $0x0  }
0x9f: {  	[sflag:s21] =	ssyncadd.s32 $0xFFFFE000  }
0xa0: {  	[tilespmem:s10], [sflag:$0x1] =	stream.indirect.gather.add.f32 [hbm:s3], $0x40, s8, s9, $0xb8;
	[tilespmem:$0x10800] =	vst v63  }
0xa1: {  	_ = 	snop  }
0xa2: {  	[tilespmem:s11], [sflag:$0x1] =	stream.indirect.gather.add.f32 [hbm:s3], $0x40, s22, s9, $0xb8;
	[tilespmem:$0x10800] =	vst v63  }
0xa3: {  	_ = 	snop  }
0xa4: {  	[tilespmem:s12], [sflag:$0x1] =	stream.indirect.gather.add.f32 [hbm:s3], $0x40, s23, s9, $0xb8;
	[tilespmem:$0x10800] =	vst v63  }
0xa5: {  	_ = 	snop  }
0xa6: {  	[tilespmem:s13], [sflag:$0x1] =	stream.indirect.gather.add.f32 [hbm:s3], $0x40, s24, s9, $0xb8;
	[tilespmem:$0x10800] =	vst v63  }
0xa7: {  	_ = 	snop  }
0xa8: {  	[tilespmem:s14], [sflag:$0x1] =	stream.indirect.gather.add.f32 [hbm:s3], $0x40, s25, s9, $0xb8;
	[tilespmem:$0x10800] =	vst v63  }
0xa9: {  	_ = 	snop  }
0xaa: {  	[tilespmem:s16], [sflag:$0x1] =	stream.indirect.gather.add.f32 [hbm:s3], $0x40, s26, s9, $0xb8;
	[tilespmem:$0x10800] =	vst v63  }
0xab: {  	_ = 	snop  }
0xac: {  	[tilespmem:s18], [sflag:$0x1] =	stream.indirect.gather.add.f32 [hbm:s3], $0x40, s28, s9, $0xb8;
	[tilespmem:$0x10800] =	vst v63  }
0xad: {  	_ = 	snop  }
0xae: {  	[tilespmem:s20], [sflag:$0x1] =	stream.indirect.gather.add.f32 [hbm:s3], $0x40, s29, s9, $0xb8;
	[tilespmem:$0x10800] =	vst v63  }
0xaf: {  	_ =	swait.ge [sflag:s21], $0x2000  }
0xb0: {  	[sflag:s21] =	ssyncset.done $0x0  }
0xb1: {  	[sflag:s21] =	ssyncadd.s32 $0xFFFFE000  }
0xb2: {  	_ =	swait.ge [sflag:s21], $0x2000  }
0xb3: {  	[sflag:s21] =	ssyncset.done $0x0  }
0xb4: {  	[sflag:s21] =	ssyncadd.s32 $0xFFFFE000  }
0xb5: {  	_ =	swait.ge [sflag:s21], $0x2000  }
0xb6: {  	[sflag:s21] =	ssyncset.done $0x0  }
0xb7: {  	[sflag:s21] =	ssyncadd.s32 $0xFFFFE000  }
0xb8: {  	_ =	swait.ge [sflag:s21], $0x2000  }
0xb9: {  	[sflag:s21] =	ssyncset.done $0x0  }
0xba: {  	[sflag:s21] =	ssyncadd.s32 $0xFFFFE000  }
0xbb: {  	_ =	swait.ge [sflag:s21], $0x2000  }
0xbc: {  	[sflag:s21] =	ssyncset.done $0x0  }
0xbd: {  	[sflag:s21] =	ssyncadd.s32 $0xFFFFE000  }
0xbe: {  	_ =	swait.ge [sflag:s21], $0x2000  }
0xbf: {  	[sflag:s21] =	ssyncset.done $0x0  }
0xc0: {  	[sflag:s21] =	ssyncadd.s32 $0xFFFFE000  }
0xc1: {  	_ =	swait.ge [sflag:s21], $0x2000  }
0xc2: {  	[sflag:s21] =	ssyncset.done $0x0  }
0xc3: {  	[sflag:s21] =	ssyncadd.s32 $0xFFFFE000  }
0xc4: {  	p0 =	sne.s32 s0, $0xC00;
	_ =	swait.ge [sflag:s21], $0x2000  }
.Ltmp0:
0xc5: {  	[sflag:s21] =	ssyncset.done $0x0;
	(pc) =	sbr.rel @p0 .LBB2_2-.Ltmp0, $4  }
0xc6: {  	s31 =	sadd.s32 $0x2000, s31;
	[sflag:s21] =	ssyncadd.s32 $0xFFFFE000  }
0xc7: {  	[hbm4b:s31+s2] =	stream.linear.scatter [tilespmem:s10], [sflag:$0x2], $0x10000, $0x38;
	[tilespmem:$0x10800] =	vst v63  }
0xc8: {  	_ =	swait.ge [sflag:s7], $0x10000  }
0xc9: {  	s0 =	sadd.s32 $0x80, s0;
	s5 =	rddreg [dreg:$0x4];
	[sflag:s7] =	ssyncset.done $0x0  }
0xca: {  	[sflag:s7] =	ssyncadd.s32 $0xFFFF0000;
	s0 =	sadd.s32 s1, s5  }
0xcb: {  	[tilespmem:s2], [sflag:$0x2] =	stream.linear.gather [hbm4b:s0+s2], $0x400, $0x38;
	[tilespmem:$0x10800] =	vst v63  }
0xcc: {  	_ =	swait.ge [sflag:s7], $0x400  }
0xcd: {  	s6 =	rddreg [dreg:$0x3];
	[sflag:s7] =	ssyncset.done $0x0  }
0xce: {  	[sflag:s7] =	ssyncadd.s32 $0xFFFFFC00;
	s0 =	sadd.s32 s1, s6  }
0xcf: {  	[tilespmem:s8], [sflag:$0x2] =	stream.linear.gather [hbm4b:s0+s2], $0x400, $0x38;
	[tilespmem:$0x10800] =	vst v63  }
0xd0: {  	_ =	swait.ge [sflag:s7], $0x400  }
0xd1: {  	[sflag:s7] =	ssyncset.done $0x0  }
0xd2: {  	[sflag:s7] =	ssyncadd.s32 $0xFFFFFC00  }
0xd3: {  	[tilespmem:s10], [sflag:$0x1] =	stream.indirect.gather [hbm4b:s4+s9], $0x40, s2, s9, $0xb8;
	[tilespmem:$0x10800] =	vst v63  }
0xd4: {  	_ = 	snop  }
0xd5: {  	[tilespmem:s11], [sflag:$0x1] =	stream.indirect.gather [hbm4b:s4+s9], $0x40, s9, s9, $0xb8;
	[tilespmem:$0x10800] =	vst v63  }
0xd6: {  	s5 =	rddreg [dreg:$0x5]  }
0xd7: {  	[tilespmem:s12], [sflag:$0x1] =	stream.indirect.gather [hbm4b:s4+s9], $0x40, s5, s9, $0xb8;
	[tilespmem:$0x10800] =	vst v63  }
0xd8: {  	s6 =	rddreg [dreg:$0x6]  }
0xd9: {  	[tilespmem:s13], [sflag:$0x1] =	stream.indirect.gather [hbm4b:s4+s9], $0x40, s6, s9, $0xb8;
	[tilespmem:$0x10800] =	vst v63  }
0xda: {  	s5 =	rddreg [dreg:$0x7]  }
0xdb: {  	[tilespmem:s14], [sflag:$0x1] =	stream.indirect.gather [hbm4b:s4+s9], $0x40, s5, s9, $0xb8;
	[tilespmem:$0x10800] =	vst v63  }
0xdc: {  	_ = 	snop  }
0xdd: {  	[tilespmem:s16], [sflag:$0x1] =	stream.indirect.gather [hbm4b:s4+s9], $0x40, s15, s9, $0xb8;
	[tilespmem:$0x10800] =	vst v63  }
0xde: {  	_ = 	snop  }
0xdf: {  	[tilespmem:s18], [sflag:$0x1] =	stream.indirect.gather [hbm4b:s4+s9], $0x40, s17, s9, $0xb8;
	[tilespmem:$0x10800] =	vst v63  }
0xe0: {  	_ = 	snop  }
0xe1: {  	[tilespmem:s20], [sflag:$0x1] =	stream.indirect.gather [hbm4b:s4+s9], $0x40, s19, s9, $0xb8;
	[tilespmem:$0x10800] =	vst v63  }
0xe2: {  	_ =	swait.ge [sflag:s21], $0x2000  }
0xe3: {  	[sflag:s21] =	ssyncset.done $0x0  }
0xe4: {  	[sflag:s21] =	ssyncadd.s32 $0xFFFFE000  }
0xe5: {  	_ =	swait.ge [sflag:s21], $0x2000  }
0xe6: {  	[sflag:s21] =	ssyncset.done $0x0  }
0xe7: {  	[sflag:s21] =	ssyncadd.s32 $0xFFFFE000  }
0xe8: {  	_ =	swait.ge [sflag:s21], $0x2000  }
0xe9: {  	[sflag:s21] =	ssyncset.done $0x0  }
0xea: {  	[sflag:s21] =	ssyncadd.s32 $0xFFFFE000  }
0xeb: {  	_ =	swait.ge [sflag:s21], $0x2000  }
0xec: {  	[sflag:s21] =	ssyncset.done $0x0  }
0xed: {  	[sflag:s21] =	ssyncadd.s32 $0xFFFFE000  }
0xee: {  	_ =	swait.ge [sflag:s21], $0x2000  }
0xef: {  	[sflag:s21] =	ssyncset.done $0x0  }
0xf0: {  	[sflag:s21] =	ssyncadd.s32 $0xFFFFE000  }
0xf1: {  	_ =	swait.ge [sflag:s21], $0x2000  }
0xf2: {  	[sflag:s21] =	ssyncset.done $0x0  }
0xf3: {  	[sflag:s21] =	ssyncadd.s32 $0xFFFFE000  }
0xf4: {  	_ =	swait.ge [sflag:s21], $0x2000  }
0xf5: {  	[sflag:s21] =	ssyncset.done $0x0  }
0xf6: {  	[sflag:s21] =	ssyncadd.s32 $0xFFFFE000  }
0xf7: {  	_ =	swait.ge [sflag:s21], $0x2000  }
0xf8: {  	[sflag:s21] =	ssyncset.done $0x0  }
0xf9: {  	[sflag:s21] =	ssyncadd.s32 $0xFFFFE000  }
0xfa: {  	[tilespmem:s10], [sflag:$0x1] =	stream.indirect.gather.add.f32 [hbm:s3], $0x40, s8, s9, $0xb8;
	[tilespmem:$0x10800] =	vst v63  }
0xfb: {  	_ = 	snop  }
0xfc: {  	[tilespmem:s11], [sflag:$0x1] =	stream.indirect.gather.add.f32 [hbm:s3], $0x40, s22, s9, $0xb8;
	[tilespmem:$0x10800] =	vst v63  }
0xfd: {  	_ = 	snop  }
0xfe: {  	[tilespmem:s12], [sflag:$0x1] =	stream.indirect.gather.add.f32 [hbm:s3], $0x40, s23, s9, $0xb8;
	[tilespmem:$0x10800] =	vst v63  }
0xff: {  	_ = 	snop  }
0x100: {  	[tilespmem:s13], [sflag:$0x1] =	stream.indirect.gather.add.f32 [hbm:s3], $0x40, s24, s9, $0xb8;
	[tilespmem:$0x10800] =	vst v63  }
0x101: {  	_ = 	snop  }
0x102: {  	[tilespmem:s14], [sflag:$0x1] =	stream.indirect.gather.add.f32 [hbm:s3], $0x40, s25, s9, $0xb8;
	[tilespmem:$0x10800] =	vst v63  }
0x103: {  	_ = 	snop  }
0x104: {  	[tilespmem:s16], [sflag:$0x1] =	stream.indirect.gather.add.f32 [hbm:s3], $0x40, s26, s9, $0xb8;
	[tilespmem:$0x10800] =	vst v63  }
0x105: {  	_ = 	snop  }
0x106: {  	[tilespmem:s18], [sflag:$0x1] =	stream.indirect.gather.add.f32 [hbm:s3], $0x40, s28, s9, $0xb8;
	[tilespmem:$0x10800] =	vst v63  }
0x107: {  	_ = 	snop  }
0x108: {  	[tilespmem:s20], [sflag:$0x1] =	stream.indirect.gather.add.f32 [hbm:s3], $0x40, s29, s9, $0xb8;
	[tilespmem:$0x10800] =	vst v63  }
0x109: {  	_ =	swait.ge [sflag:s21], $0x2000  }
0x10a: {  	[sflag:s21] =	ssyncset.done $0x0  }
0x10b: {  	[sflag:s21] =	ssyncadd.s32 $0xFFFFE000  }
0x10c: {  	_ =	swait.ge [sflag:s21], $0x2000  }
0x10d: {  	[sflag:s21] =	ssyncset.done $0x0  }
0x10e: {  	[sflag:s21] =	ssyncadd.s32 $0xFFFFE000  }
0x10f: {  	_ =	swait.ge [sflag:s21], $0x2000  }
0x110: {  	[sflag:s21] =	ssyncset.done $0x0  }
0x111: {  	[sflag:s21] =	ssyncadd.s32 $0xFFFFE000  }
0x112: {  	_ =	swait.ge [sflag:s21], $0x2000  }
0x113: {  	[sflag:s21] =	ssyncset.done $0x0  }
0x114: {  	[sflag:s21] =	ssyncadd.s32 $0xFFFFE000  }
0x115: {  	_ =	swait.ge [sflag:s21], $0x2000  }
0x116: {  	[sflag:s21] =	ssyncset.done $0x0  }
0x117: {  	[sflag:s21] =	ssyncadd.s32 $0xFFFFE000  }
0x118: {  	_ =	swait.ge [sflag:s21], $0x2000  }
0x119: {  	[sflag:s21] =	ssyncset.done $0x0  }
0x11a: {  	[sflag:s21] =	ssyncadd.s32 $0xFFFFE000  }
0x11b: {  	_ =	swait.ge [sflag:s21], $0x2000  }
0x11c: {  	[sflag:s21] =	ssyncset.done $0x0  }
0x11d: {  	[sflag:s21] =	ssyncadd.s32 $0xFFFFE000  }
0x11e: {  	_ =	swait.ge [sflag:s21], $0x2000  }
0x11f: {  	[sflag:s21] =	ssyncset.done $0x0  }
0x120: {  	s6 =	sadd.s32 $0x2000, s31;
	[sflag:s21] =	ssyncadd.s32 $0xFFFFE000  }
0x121: {  	[hbm4b:s6+s2] =	stream.linear.scatter [tilespmem:s10], [sflag:$0x2], $0x10000, $0x38;
	[tilespmem:$0x10800] =	vst v63  }
0x122: {  	_ =	swait.ge [sflag:s7], $0x10000  }
0x123: {  	s30 =	sadd.s32 $0x1, s30;
	s31 =	rddreg [dreg:$0x8]  }
0x124: {  	p0 =	sne.s32 s30, s31  }
.Ltmp1:
0x125: {  	_ = 	snop;
	(pc) =	sbr.rel @p0 .LBB2_1-.Ltmp1, $3  }
0x126: {  	_ =	sdelay $0x1  }
0x127: {  	[sflag:s7] =	ssyncset.done $0x0  }
0x128: {  	[sflag:s7] =	ssyncadd.s32 $0xFFFF0000  }
0x129: {  	_ =	sfence.sel $0x180000  }
0x12a: {  	[bflag:$0x0] =	sbarrier.arrive $0xFFFF  }
0x12b: {  	_ =	strace $0x90000047  }
0x12c: {  	s0 =	stileid.u32;
	[bflag:$0x2] =	sbarrier.arrive $0xFFFF  }
0x12d: {  	p0 =	sne.s32 s0, $0x0;
	s0 =	rddreg [dreg:$0x2]  }
0x12e: {  	s0 =	sadd.s32 @!p0 $0x100000, s0  }
0x12f: {  	[sflag:s0] =	ssyncadd.tile.s32 @!p0 $0x1;
	_ =	shalt  }
.Lfunc_end2:
_tile_overlayer_lowered:
.L_overlay_start_2:
0x130: {  	(tag) =	ssettag $0x2  }
0x131: {  	s0 =	rddreg [dreg:$0x0];
	s2 =	stileid.u32  }
0x132: {  	s1 =	rddreg [dreg:$0x1];
	p0 =	sne.s32 s2, $0x0  }
0x133: {  	s3 =	rddreg [dreg:$0x2];
	[bflag:$0x3] =	sbarrier.arrive $0xFFFF;
	s2 =	simm.s32 @!p0 $0x1C02  }
0x134: {  	[timem:s3], [sflag:s2] =	dma.local @!p0 [hbm:s0], s1  }
0x135: {  	s0 =	simm.s32 @!p0 $0x2  }
0x136: {  	_ =	swait.ge @!p0 [sflag:s0], s1  }
0x137: {  	s1 =	ssub.s32 @!p0 $0x0, s1;
	[sflag:s0] =	ssyncset.done @!p0 $0x0  }
0x138: {  	[sflag:s0] =	ssyncadd.s32 @!p0 s1  }
0x139: {  	[bflag:$0x3] =	sbarrier.arrive $0xFFFF  }
0x13a: {  	_ =	shalt  }

// kernel: sparse-core-data-format-call.cloned.1.call-start
scs
called_computation_lowered:
.L_overlay_start_0:
0x0: {  	s2 =	sld [smem:$0x3FD9]  }
0x1: {  	s3 =	sld [smem:$0x3FFE];
	_ =	sdelay $0x1  }
0x2: {  	s1 =	srdreg.scid  }
0x3: {  	s0 =	sand.u32 $0x1, s1  }
0x4: {  	s18 =	sshll.u32 s0, $0xA;
	s2 =	sadd.s32 s3, s2  }
0x5: {  	s2 =	sadd.s32 s2, s18  }
0x6: {  	[smem:$0x3FBF] =	sst s2  }
0x7: {  	_ = 	snop  }
0x8: {  	s2 =	sld [smem:$0x3FD0];
	(tm) =	ssettm $0x1  }
0x9: {  	s19 =	sld [smem:$0x3FFB];
	_ =	sdelay $0x3  }
0xa: {  	_ =	strace s19  }
0xb: {  	s3 =	sld [smem:$0x3FFC];
	_ =	sdelay $0x3  }
0xc: {  	_ =	strace s3  }
0xd: {  	s3 =	sld [smem:$0x3FFD];
	_ =	sdelay $0x3  }
0xe: {  	_ =	strace s3  }
0xf: {  	_ =	strace $0x8FFFFFFF  }
0x10: {  	s20 =	sld [smem:$0x3FDB];
	_ =	sdelay $0x1  }
0x11: {  	s4 =	simm.s32 $_scs_section_size  }
0x12: {  	s5 =	simm.s32 $_size__tile_overlayer_lowered;
	s6 =	simm.s32 $_tile_overlayer_lowered  }
0x13: {  	s23 =	simm.s32 $0x1BFF;
	s22 =	sshll.u32 s6, $0x1;
	s3 =	sadd.s32 s4, s20  }
0x14: {  	s7 =	simm.s32 $0x0;
	s21 =	sshll.u32 s5, $0x1;
	s5 =	sadd.s32 s22, s3  }
0x15: {  	[timem:s7], [sflag:s23] =	dma.local [hbm:s5], s21  }
0x16: {  	_ =	swait.ge [sflag:s23], s21  }
0x17: {  	s4 =	ssub.s32 $0x0, s21;
	[sflag:s23] =	ssyncset.done $0x0  }
0x18: {  	[sflag:s23] =	ssyncadd.s32 s4;
	_ =	sdelay $0x1  }
0x19: {  	s24 =	simm.s32 $0x1B8B  }
0x1a: {  	_ =	swait.ge [sflag:s24], $0x1  }
0x1b: {  	[sflag:s24] =	ssyncset.done $0x0  }
0x1c: {  	s26 =	simm.s32 $0x1B8E;
	s25 =	sld [smem:$0x3FFE];
	[sflag:s24] =	ssyncadd.s32 $0xFFFFFFFF  }
0x1d: {  	s27 =	simm.s32 $execute0_lowered;
	[smem:$0x3FD2] =	sst s26  }
0x1e: {  	s5 =	sshll.u32 s27, $0x1;
	_ =	strace $0x80000049;
	[dreg:$0x1] =	wrdreg $0xFFFFFFFF  }
0x1f: {  	s28 =	simm.s32 $_size_execute0_lowered;
	s3 =	sadd.s32 s3, s5;
	[dreg:$0x0] =	wrdreg $0x0  }
0x20: {  	s5 =	sshll.u32 s28, $0x1;
	[dreg:$0x2] =	wrdreg s3  }
0x21: {  	[dreg:$0x3] =	wrdreg s5  }
0x22: {  	[dreg:$0x4] =	wrdreg $0xC0  }
0x23: {  	_ =	task [dreg:s7], $0x5FFFF  }
0x24: {  	[dreg:$0x1] =	wrdreg $0xFFFFFFFF  }
0x25: {  	[dreg:$0x0] =	wrdreg $0x60  }
0x26: {  	[dreg:$0x2] =	wrdreg s25  }
0x27: {  	[dreg:$0x3] =	wrdreg s2  }
0x28: {  	[dreg:$0x4] =	wrdreg $0x9  }
0x29: {  	_ =	task.clear_ibuf [dreg:s7], $0x5FFFF;
	_ =	strace $0x90000049  }
0x2a: {  	s29 =	simm.s32 $0x9;
	_ =	strace $0x8000004B  }
0x2b: {  	_ =	swait.ge [sflag:s29], $0x1  }
0x2c: {  	[sflag:s29] =	ssyncadd.s32 $0xFFFFFFFF  }
0x2d: {  	_ =	strace $0x9000004B  }
0x2e: {  	_ =	sfence  }
0x2f: {  	s30 =	sld [smem:$0x0];
	_ =	sdelay $0x2  }
0x30: {  	s31 =	sshll.u32 s1, $0xD;
	s1 =	sshrl.u32 s1, $0x2  }
0x31: {  	s3 =	sand.u32 $0x4000, s31;
	s1 =	sadd.s32 s1, s30  }
0x32: {  	s0 =	sor.u32 s3, s0;
	s1 =	sshll.u32 s1, $0x11  }
0x33: {  	s0 =	sor.u32 s1, s0  }
0x34: {  	s0 =	sadd.s32 $0x8F2B, s0  }
0x35: {  	[sflag:s0] =	ssyncadd.remote.s32 $0x1  }
0x36: {  	_ =	sfence.sel $0xFFFF  }
0x37: {  	[dreg:$0x0] =	wrdreg $0xFFFFFFFF;
	(pc) =	sbr.abs _section_cstart, $3  }
0x38: {  	[dreg:$0x1] =	wrdreg $0xFFFFFFFF  }
0x39: {  	_ =	task.clear_ibuf [dreg:s7], $0x2FFFF;
	_ =	strace $0x9FFFFFFF  }
0x3a: {  	(tm) =	ssettm $0x7FFFFFFF  }
0x3b: {  	_ =	shalt  }
tec
execute0_lowered:
.L_overlay_start_1:
0x0: {  	(tag) =	ssettag $0x1  }
0x1: {  	s0 =	srdreg.scid  }
0x2: {  	s1 =	sshll.u32 s0, $0x4  }
0x3: {  	s0 =	stileid.u32;
	s1 =	sand.u32 $0x10, s1  }
0x4: {  	s1 =	sor.u32 s0, s1  }
0x5: {  	s6 =	rddreg [dreg:$0x0];
	s4 =	simm.s32 $0x1;
	s2 =	sshll.u32 s1, $0x7  }
0x6: {  	s7 =	simm.s32 $0x2;
	s12 =	simm.s32 $0x0;
	s1 =	ssub.s32 $0x1000, s2  }
0x7: {  	s8 =	simm.s32 $0x8000;
	s13 =	simm.s32 $0x0;
	s3 =	sand.u32 $0xF80, s1  }
0x8: {  	s9 =	simm.s32 $0x0;
	s5 =	sshrl.u32 s1, $0xC;
	p0 =	sne.s32 s3, $0x0  }
.Ltmp0:
0x9: {  	s1 =	rddreg [dreg:$0x2];
	s4 =	simm.s32 @!p0 $0x0;
	(pc) =	sbr.rel .LBB1_1-.Ltmp0, $4  }
0xa: {  	s11 =	simm.s32 $0x0;
	s3 =	rddreg [dreg:$0x1];
	s5 =	sadd.s32 s4, s5  }
0xb: {  	_ =	strace $0x8000004A;
	s4 =	simm.s32 $0x1;
	s5 =	smul.u32 $0xC8, s5  }
0xc: {  	s6 =	sadd.s32 $0x1800, s6;
	s10 =	smov.u32 s2;
	[sflag:s4] =	ssyncpa.u1 $0x0  }
0xd: {  	p0 =	por $0x0, $0x0;
	[sflag:s7] =	ssyncpa.u1 $0x0;
	s7 =	sor.u32 $0x1, s5  }
.LBB1_4:
0xe: {  	s16 =	sshll.u32 s13, $0x3;
	s17 =	sand.u32 $0x78, s13  }
0xf: {  	s30 =	sand.u32 $0x7E00, s13;
	s12 =	sshll.u32 s12, $0xF;
	s16 =	sand.u32 $0xC00, s16  }
0x10: {  	[tilespmem:s15+$0x810 ss:$0x81] =	vst.msk $0xffff, v2;
	s31 =	sand.u32 $0x7, s13;
	s16 =	sor.u32 s17, s16;
	s17 =	sadd.s32 s3, s30  }
0x11: {  	[tilespmem:s15+$0x1020 ss:$0x81] =	vst.msk $0xffff, v0;
	s13 =	sshll.u32 s31, $0x12;
	s12 =	sadd.s32 s12, s17;
	s16 =	sshrl.u32 s16, $0x3  }
0x12: {  	[tilespmem:s15+$0x0 ss:$0x81] =	vst.msk $0xffff, v1;
	s13 =	sor.u32 $0x400, s13;
	s12 =	sadd.s32 s16, s12  }
0x13: {  	[hbm4b:s12+s13] =	stream.strided.scatter [tilespmem:s14], [sflag:$0x2], $0x2000, s8, s13, $0x20;
	[tilespmem:$0x8080] =	vst v63  }
.LBB1_5:
0x14: {  	s14 =	sadd.s32 $0x1, s9  }
0x15: {  	s12 =	sadd.s32 $0x1000, s10;
	s16 =	smov.u32 s10;
	p2 =	sgt.s32 s14, $0xC7  }
0x16: {  	s16 =	smov.u32 @p2 s12  }
0x17: {  	s14 =	simm.s32 @p2 $0x0;
	p2 =	sgt.s32 s16, $0xFFF  }
0x18: {  	s16 =	smov.u32 @p2 s2;
	p2 =	sne.s32 s11, s7  }
.Ltmp1:
0x19: {  	p1 =	slt.u32 s11, $0x2;
	(pc) =	sbr.rel @!p2 .LBB1_6-.Ltmp1, $4  }
0x1a: {  	s15 =	simm.s32 @!p1 $0x2  }
0x1b: {  	s13 =	smov.u32 s10;
	p0 =	por !p0, !p0;
	_ =	swait.ge @!p1 [sflag:s15], $0x2000  }
0x1c: {  	s12 =	smov.u32 s9;
	[sflag:s15] =	ssyncset.done @!p1 $0x0;
	s9 =	smov.u32 s14  }
0x1d: {  	s11 =	sadd.s32 $0x1, s11;
	[sflag:s15] =	ssyncadd.s32 @!p1 $0xFFFFE000;
	s10 =	smov.u32 s16  }
.LBB1_1:
0x1e: {  	p1 =	sge.u32 s11, s5  }
0x1f: {  	s14 =	sand.u32 @!p1 $0x1FFFFFF, s9  }
0x20: {  	s15 =	smulhi.u32 @!p1 $0x147AE15, s14;
	_ =	sdelay $0x1  }
0x21: {  	s15 =	smul.u32 @!p1 $0xC8, s15  }
0x22: {  	s16 =	sxor.u32 @!p1 $0xFFFFFFFF, s11;
	s17 =	smul.u32 @!p1 $0xC80, s10  }
0x23: {  	s31 =	sadd.s32 $0xFFFFFFFF, s11;
	s16 =	sshll.u32 @!p1 s16, $0xD;
	s14 =	ssub.s32 @!p1 s14, s15  }
0x24: {  	s15 =	sand.u32 @!p1 $0x2000, s16;
	s16 =	sadd.s32 @!p1 s6, s17;
	s14 =	sshll.u32 @!p1 s14, $0x4  }
0x25: {  	s17 =	simm.s32 @!p1 $0x6400;
	s14 =	sadd.s32 @!p1 s14, s16;
	s16 =	simm.s32 @!p1 $0x40  }
0x26: {  	[tilespmem:s15], [sflag:$0x1] =	stream.strided.gather @!p1 [hbm4b:s14+s16], $0x2000, s17, s16, $0x38;
	[tilespmem:$0x8080] =	vst v63  }
0x27: {  	p1 =	sge.u32 s31, s5  }
.Ltmp2:
0x28: {  	_ = 	snop;
	(pc) =	sbr.rel @p1 .LBB1_5-.Ltmp2, $1  }
0x29: {  	_ =	sdelay $0x3  }
0x2a: {  	s14 =	simm.s32 $0x1  }
0x2b: {  	_ =	swait.ge [sflag:s4], $0x2000;
	s14 =	simm.s32 @!p0 $0x0  }
0x2c: {  	[sflag:s4] =	ssyncset.done $0x0;
	s15 =	sshll.u32 s14, $0xD  }
0x2d: {  	[sflag:s4] =	ssyncadd.s32 $0xFFFFE000;
	s18 =	sor.u32 $0x20, s15  }
0x2e: {  	s14 =	smul.u32 $0x8100, s14;
	v3 =	vld [tilespmem:s18+$0x10]  }
0x2f: {  	s30 =	sand.u32 $0x1, s11;
	v2 =	vld [tilespmem:s18+$0xFFFFFFF0]  }
0x30: {  	s15 =	smul.u32 $0x8100, s30;
	s14 =	sshrl.u32 s14, $0x2;
	v0 =	vld [tilespmem:s18+$0x0]  }
0x31: {  	v1 =	vld [tilespmem:s18+$0xFFFFFFE0];
	s16 =	sor.u32 $0x4000, s14  }
0x32: {  	s31 =	sshrl.u32 s15, $0x2;
	s15 =	sadd.s32 $0x0, s16  }
0x33: {  	s17 =	simm.s32 $0x4;
	s18 =	sadd.s32 $0x40, s18;
	s14 =	sor.u32 $0x4000, s31;
	[tilespmem:s15+$0x1830 ss:$0x81] =	vst.msk $0xffff, v3  }
.LBB1_3:
0x34: {  	v3 =	vld [tilespmem:s18+$0x10];
	p1 =	sne.s32 s17, $0x1FC;
	[tilespmem:s15+$0x810 ss:$0x81] =	vst.msk $0xffff, v2;
	s19 =	smov.u32 s17;
	s17 =	sadd.s32 $0x4, s17  }
.Ltmp3:
0x35: {  	v2 =	vld [tilespmem:s18+$0xFFFFFFF0];
	[tilespmem:s15+$0x1020 ss:$0x81] =	vst.msk $0xffff, v0;
	(pc) =	sbr.rel @p1 .LBB1_3-.Ltmp3, $4  }
0x36: {  	v0 =	vld [tilespmem:s18+$0x0];
	[tilespmem:s15+$0x0 ss:$0x81] =	vst.msk $0xffff, v1  }
0x37: {  	s15 =	sshra.s32 s19, $0x2;
	v1 =	vld [tilespmem:s18+$0xFFFFFFE0]  }
0x38: {  	s15 =	sadd.s32 s15, s16  }
0x39: {  	s18 =	sadd.s32 $0x40, s18;
	[tilespmem:s15+$0x1830 ss:$0x81] =	vst.msk $0xffff, v3  }
.Ltmp4:
0x3a: {  	_ = 	snop;
	(pc) =	sbr.rel .LBB1_4-.Ltmp4, $1  }
0x3b: {  	_ =	sdelay $0x3  }
.LBB1_6:
0x3c: {  	_ =	sfence.sel $0x180000  }
0x3d: {  	s2 =	simm.s32 $0x1;
	[bflag:$0x0] =	sbarrier.arrive $0xFFFF  }
0x3e: {  	s31 =	simm.s32 $0x2;
	[sflag:s2] =	ssyncpa.u1 $0x1  }
0x3f: {  	[sflag:s31] =	ssyncpa.u1 $0x1  }
0x40: {  	p0 =	sne.s32 s0, $0x0;
	_ =	strace $0x9000004A  }
0x41: {  	s0 =	sadd.s32 @!p0 $0x100000, s1;
	[bflag:$0x2] =	sbarrier.arrive $0xFFFF  }
0x42: {  	[sflag:s0] =	ssyncadd.tile.s32 @!p0 $0x1;
	_ =	shalt  }
.Lfunc_end1:
_tile_overlayer_lowered:
.L_overlay_start_2:
0x43: {  	(tag) =	ssettag $0x2  }
0x44: {  	s0 =	rddreg [dreg:$0x0];
	s2 =	stileid.u32  }
0x45: {  	s1 =	rddreg [dreg:$0x1];
	p0 =	sne.s32 s2, $0x0  }
0x46: {  	s3 =	rddreg [dreg:$0x2];
	[bflag:$0x3] =	sbarrier.arrive $0xFFFF;
	s2 =	simm.s32 @!p0 $0x1C01  }
0x47: {  	[timem:s3], [sflag:s2] =	dma.local @!p0 [hbm:s0], s1  }
0x48: {  	s0 =	simm.s32 @!p0 $0x1  }
0x49: {  	_ =	swait.ge @!p0 [sflag:s0], s1  }
0x4a: {  	s1 =	ssub.s32 @!p0 $0x0, s1;
	[sflag:s0] =	ssyncset.done @!p0 $0x0  }
0x4b: {  	[sflag:s0] =	ssyncadd.s32 @!p0 s1  }
0x4c: {  	[bflag:$0x3] =	sbarrier.arrive $0xFFFF  }
0x4d: {  	_ =	shalt  }

</sc_bundles>
